<compile_context>
chip_gen: v7x
topology: tpu7x:2x2x1
jax: 0.10.2.dev20260603
libtpu: 0.0.44.dev20260713+nightly
codegen_flags: <defaults>
</compile_context>

<pallas_src>
import functools
import math

import jax
import jax.numpy as jnp
from jax import lax
from jax.experimental import pallas as pl
from jax.experimental.pallas import tpu as pltpu
from jax.experimental.pallas import tpu_sc as plsc

_NC = 2
_NS = 16

_SC_ROWS = 4608
_CH = 16


def _sc_reduce_body(scores_ref, out_ref, buf0, buf1, acc,
                    sem0, sem1, *, row_base, spw, ch, nl):
    c = lax.axis_index("c")
    s = lax.axis_index("s")
    row0 = row_base + s * spw
    nch = spw // ch
    zero16 = jnp.zeros((16,), jnp.float32)

    def zbody(j, _):
        acc[0, pl.ds(j * 16, 16)] = zero16
        return 0

    lax.fori_loop(0, nl // 16, zbody, 0)

    def copy_in(i, buf, sem):
        return pltpu.async_copy(
            scores_ref.at[c, pl.ds(row0 + i * ch, ch)], buf, sem)

    def wait_in(buf, sem):
        pltpu.make_async_copy(scores_ref.at[c, pl.ds(row0, ch)], buf, sem).wait()

    def accum(buf):
        def jbody(j, _):
            off = j * 16

            def rbody(r4, vs):
                v0, v1, v2, v3 = vs
                r = r4 * 4
                v0 = v0 + buf[r, pl.ds(off, 16)]
                v1 = v1 + buf[r + 1, pl.ds(off, 16)]
                v2 = v2 + buf[r + 2, pl.ds(off, 16)]
                v3 = v3 + buf[r + 3, pl.ds(off, 16)]
                return (v0, v1, v2, v3)

            v0, v1, v2, v3 = lax.fori_loop(
                0, ch // 4, rbody, (zero16, zero16, zero16, zero16), unroll=2)
            plsc.addupdate(acc.at[0, pl.ds(off, 16)], (v0 + v1) + (v2 + v3))
            return 0

        lax.fori_loop(0, nl // 16, jbody, 0, unroll=2)

    copy_in(0, buf0, sem0)

    def body(i2, _):
        i = i2 * 2
        copy_in(i + 1, buf1, sem1)
        wait_in(buf0, sem0)
        accum(buf0)

        @pl.when(i + 2 < nch)
        def _():
            copy_in(i + 2, buf0, sem0)

        wait_in(buf1, sem1)
        accum(buf1)
        return 0

    lax.fori_loop(0, nch // 2, body, 0)
    pltpu.sync_copy(acc, out_ref.at[c, pl.ds(s, 1)])


def _tc_pass1_body(hid_ref, ln1g_ref, ln1b_ref, w1_ref, b1_ref,
                   ln2g_ref, ln2b_ref, wd_ref, *rest, eps, tc_rows):
    if tc_rows:
        scores_ref, sums_ref, diff_ref = rest
    else:
        sums_ref, diff_ref = rest
    j = pl.program_id(1)

    if tc_rows:
        @pl.when(j == 0)
        def _init():
            sums_ref[...] = jnp.zeros_like(sums_ref)

        sums_ref[...] += jnp.sum(scores_ref[...], axis=1, keepdims=True)

    x = hid_ref[0]
    m = jnp.mean(x, axis=-1, keepdims=True)
    v = jnp.mean((x - m) ** 2, axis=-1, keepdims=True)
    x = (x - m) * lax.rsqrt(v + eps) * ln1g_ref[0] + ln1b_ref[0]

    h = jnp.dot(x, w1_ref[...], preferred_element_type=jnp.float32) + b1_ref[0]
    m = jnp.mean(h, axis=-1, keepdims=True)
    v = jnp.mean((h - m) ** 2, axis=-1, keepdims=True)
    h = (h - m) * lax.rsqrt(v + eps) * ln2g_ref[0] + ln2b_ref[0]
    h = 0.5 * h * (1.0 + lax.erf(h * (1.0 / math.sqrt(2.0))))

    diff_ref[...] = jnp.sum(h * wd_ref[0], axis=-1)[None, None, :]


def _tc_pass2_body(bd_ref, sc_ref, sums_ref, diff_ref, mask_ref,
                   *, n_rows, use_tc_sums):
    L = diff_ref.shape[2]
    idx = lax.broadcasted_iota(jnp.int32, (1, L), 1)

    total = jnp.sum(sc_ref[0], axis=0, keepdims=True)
    if use_tc_sums:
        total = total + sums_ref[0]
    imp = total * (1.0 / n_rows)
    mn = jnp.min(jnp.where(idx == 0, jnp.inf, imp))
    mx = jnp.max(jnp.where(idx == 0, -jnp.inf, imp))
    impn = (imp - mn) / mx
    impn = jnp.where(idx == 0, 1.0, impn)

    diff = diff_ref[0] + bd_ref[0]
    diff = jnp.where(idx == 0, diff + 100.0, diff)
    learned = jax.nn.sigmoid(diff)

    final = (impn + learned) * 0.5
    mask_ref[0] = (final >= 0.5).astype(mask_ref.dtype)


def kernel(hidden_states, attention_mask, self_attention_scores, key_layer,
           tome_size, ln1_g, ln1_b, W1, b1, ln2_g, ln2_b, W2, b2):
    B, L, D = hidden_states.shape
    H = self_attention_scores.shape[1]
    n_rows = H * L
    sc_rows = _SC_ROWS
    tc_rows = n_rows - sc_rows
    spw = sc_rows // _NS

    scores = self_attention_scores.reshape(B, n_rows, L)

    sc_part = pl.kernel(
        functools.partial(_sc_reduce_body, row_base=tc_rows, spw=spw,
                          ch=_CH, nl=L),
        out_type=jax.ShapeDtypeStruct((_NC, _NS, L), jnp.float32),
        mesh=plsc.VectorSubcoreMesh(core_axis_name="c", subcore_axis_name="s"),
        scratch_types=[
            pltpu.VMEM((_CH, L), jnp.float32),
            pltpu.VMEM((_CH, L), jnp.float32),
            pltpu.VMEM((1, L), jnp.float32),
            pltpu.SemaphoreType.DMA,
            pltpu.SemaphoreType.DMA,
        ],
    )(scores)

    nst = 16
    T = L // nst
    R = tc_rows // nst
    w_diff = W2[:, 0] - W2[:, 1]
    b_diff = (b2[0] - b2[1]).astype(jnp.float32)

    in_specs = [
        pl.BlockSpec((1, T, D), lambda b, j: (b, j, 0)),
        pl.BlockSpec((1, D), lambda b, j: (0, 0)),
        pl.BlockSpec((1, D), lambda b, j: (0, 0)),
        pl.BlockSpec((D, D), lambda b, j: (0, 0)),
        pl.BlockSpec((1, D), lambda b, j: (0, 0)),
        pl.BlockSpec((1, D), lambda b, j: (0, 0)),
        pl.BlockSpec((1, D), lambda b, j: (0, 0)),
        pl.BlockSpec((1, D), lambda b, j: (0, 0)),
    ]
    args = [hidden_states, ln1_g[None], ln1_b[None], W1, b1[None],
            ln2_g[None], ln2_b[None], w_diff[None]]
    if tc_rows:
        in_specs.append(pl.BlockSpec((1, R, L), lambda b, j: (b, j, 0)))
        args.append(scores)

    tc_sums, diff = pl.pallas_call(
        functools.partial(_tc_pass1_body, eps=1e-5, tc_rows=tc_rows),
        grid=(B, nst),
        in_specs=in_specs,
        out_specs=[
            pl.BlockSpec((1, 1, L), lambda b, j: (b, 0, 0)),
            pl.BlockSpec((1, 1, T), lambda b, j: (b, 0, j)),
        ],
        out_shape=[
            jax.ShapeDtypeStruct((B, 1, L), jnp.float32),
            jax.ShapeDtypeStruct((B, 1, L), jnp.float32),
        ],
        compiler_params=pltpu.CompilerParams(
            dimension_semantics=("parallel", "arbitrary")),
    )(*args)

    sc_view = sc_part.reshape(B, (_NC * _NS) // B, L)

    mask = pl.pallas_call(
        functools.partial(_tc_pass2_body, n_rows=float(n_rows),
                          use_tc_sums=bool(tc_rows)),
        grid=(B,),
        in_specs=[
            pl.BlockSpec(memory_space=pltpu.SMEM),
            pl.BlockSpec((1, (_NC * _NS) // B, L), lambda b: (b, 0, 0)),
            pl.BlockSpec((1, 1, L), lambda b: (b, 0, 0)),
            pl.BlockSpec((1, 1, L), lambda b: (b, 0, 0)),
        ],
        out_specs=pl.BlockSpec((1, 1, L), lambda b: (b, 0, 0)),
        out_shape=jax.ShapeDtypeStruct((B, 1, L), jnp.float32),
    )(b_diff[None], sc_view, tc_sums, diff)
    mask = mask.reshape(B, L)

    tome_size_new = jnp.ones((B, L, 1), dtype=attention_mask.dtype)
    return (hidden_states, attention_mask, tome_size_new, mask)

# --- scband reference (transcript-rebuilt; emitter-appended) ---
"""Pipeline reference for scband-router-ours-softmax-add-attention-gating-no-new-token-32830730011542 (READ-ONLY COPY).

The authoritative reference and input builder live on the scoring server;
editing this copy changes nothing except your own understanding.
"""

import jax, jax.numpy as jnp
import numpy as np


def layer_norm(x, g, b, eps=1e-5):
    m = jnp.mean(x, axis=-1, keepdims=True)
    v = jnp.mean((x - m) ** 2, axis=-1, keepdims=True)
    return (x - m) / jnp.sqrt(v + eps) * g + b


def setup_inputs(seed: int = 0) -> dict:
    key = jax.random.key(seed)
    ks = jax.random.split(key, 8)
    B, L, D, H, dh = 2, 2048, 768, 12, 64
    hidden_states = jax.random.normal(ks[0], (B, L, D), dtype=jnp.float32)
    attention_mask = jnp.zeros((B, 1, 1, L), dtype=jnp.float32)
    self_attention_scores = jax.random.uniform(ks[1], (B, H, L, L), dtype=jnp.float32)
    key_layer = jax.random.normal(ks[2], (B, H, L, dh), dtype=jnp.float32)
    tome_size = jnp.ones((B, L, 1), dtype=jnp.float32)
    # learned parameters (gating: LayerNorm -> Linear(D,D) -> LayerNorm -> GELU; then Linear(D,2))
    ln1_g = jnp.ones((D,), dtype=jnp.float32)
    ln1_b = jnp.zeros((D,), dtype=jnp.float32)
    W1 = jax.random.normal(ks[3], (D, D), dtype=jnp.float32) * 0.02  # [in, out]
    b1 = jnp.zeros((D,), dtype=jnp.float32)
    ln2_g = jnp.ones((D,), dtype=jnp.float32)
    ln2_b = jnp.zeros((D,), dtype=jnp.float32)
    W2 = jax.random.normal(ks[4], (D, 2), dtype=jnp.float32) * 0.02  # [in, out]
    b2 = jnp.zeros((2,), dtype=jnp.float32)
    return {
        "hidden_states": hidden_states,
        "attention_mask": attention_mask,
        "self_attention_scores": self_attention_scores,
        "key_layer": key_layer,
        "tome_size": tome_size,
        "ln1_g": ln1_g, "ln1_b": ln1_b, "W1": W1, "b1": b1,
        "ln2_g": ln2_g, "ln2_b": ln2_b, "W2": W2, "b2": b2,
    }


def reference(hidden_states, attention_mask, self_attention_scores, key_layer, tome_size,
              ln1_g, ln1_b, W1, b1, ln2_g, ln2_b, W2, b2):
    B, L, D = hidden_states.shape
    dtype = attention_mask.dtype
    # importance scores: mean over heads, then mean over query dim -> per-key score [B, L]
    imp = jnp.mean(jnp.mean(self_attention_scores, axis=1), axis=1)
    imp = imp.at[:, 0].set(0.0)
    imp_min = jnp.min(imp[:, 1:], axis=1, keepdims=True)
    imp_max = jnp.max(imp[:, 1:], axis=1, keepdims=True)
    imp = (imp - imp_min) / imp_max
    imp = imp.at[:, 0].set(1.0)
    # class logits forcing CLS token to be kept
    class_logits = jnp.zeros((B, L, 2), dtype=dtype).at[:, 0, 0].set(100.0)
    # gating network (eval mode -> softmax, not gumbel)
    h = layer_norm(hidden_states, ln1_g, ln1_b)
    h = h @ W1 + b1
    h = layer_norm(h, ln2_g, ln2_b)
    h = jax.nn.gelu(h, approximate=False)
    learned = h @ W2 + b2 + class_logits
    learned = jax.nn.softmax(learned, axis=-1)[:, :, 0]
    final_scores = (imp + learned) / 2.0
    # re_parameterize (straight-through hard threshold at 0.5)
    y_hard = (final_scores >= 0.5).astype(final_scores.dtype)
    learnable_01mask = y_hard - jax.lax.stop_gradient(final_scores) + final_scores
    # computed but unused in the original forward's return (kept for faithfulness)
    _add_attention = (1.0 - learnable_01mask) * jnp.finfo(dtype).min
    final_attention_mask = jnp.minimum(attention_mask, _add_attention[:, None, None, :])
    final_token = hidden_states
    tome_size_new = jnp.ones((B, final_token.shape[1], 1), dtype=dtype)
    return (final_token, attention_mask, tome_size_new, learnable_01mask)

if __name__ == "__main__":
    import jax
    _d = setup_inputs()
    print(jax.jit(kernel)(*tuple(_d.values())))

</pallas_src>

<mosaic_0001>
#map = affine_map<(d0, d1) -> (0, 0, 0)>
module attributes {stable_mosaic.version = 14 : i64} {
  func.func @_sc_reduce_body(%arg0: i32, %arg1: i32, %arg2: memref<2x24576x2048xf32, #tpu.memory_space<hbm>>, %arg3: memref<2x16x2048xf32, #tpu.memory_space<hbm>>, %arg4: memref<16x2048xf32, #tpu.memory_space<vmem>>, %arg5: memref<16x2048xf32, #tpu.memory_space<vmem>>, %arg6: memref<1x2048xf32, #tpu.memory_space<vmem>>, %arg7: memref<!tpu.dma_semaphore, #tpu.memory_space<semaphore_mem>>, %arg8: memref<!tpu.dma_semaphore, #tpu.memory_space<semaphore_mem>>) attributes {dimension_semantics = [#tpu.dimension_semantics<core_parallel>, #tpu.dimension_semantics<subcore_parallel>], iteration_bounds = array<i64: 2, 16>, scalar_prefetch = 0 : i64, scratch_operands = 5 : i64, tpu.core_type = #tpu.core_type<sc_vector_subcore>, window_params = [{transform_indices = #map}, {transform_indices = #map}]} {
    %mul3A = arith.constant 288 : i32
    %mul3A_0 = arith.muli %arg1, %mul3A : i32
    %add3A = arith.constant 19968 : i32
    %add3A_1 = arith.addi %add3A, %mul3A_0 : i32
    %broadcast_in_dim3A = arith.constant 0.000000e+00 : f32
    %broadcast_in_dim3A_2 = vector.broadcast %broadcast_in_dim3A : f32 to vector<16xf32>
    %scan3A = arith.constant 0 : i32
    %scan3A_3 = arith.constant 0 : i32
    %scan3A_4 = arith.constant 128 : i32
    %scan3A_5 = arith.addi %scan3A_3, %scan3A_4 : i32
    %scan3A_6 = arith.constant 1 : i32
    %scan3A_7 = scf.for %scan3A_23 = %scan3A_3 to %scan3A_5 step %scan3A_6 iter_args(%scan3A_24 = %scan3A) -> (i32)  : i32 {
      %mul3A_25 = arith.constant 16 : i32
      %mul3A_26 = arith.muli %scan3A_23, %mul3A_25 : i32
      %swap3A = arith.constant 0 : i32
      %swap3A_27 = arith.index_cast %swap3A : i32 to index
      %swap3A_28 = arith.index_cast %mul3A_26 : i32 to index
      %swap3A_29 = tpu.vector_load %arg6[%swap3A_27, %swap3A_28] {strides = array<i32>} : memref<1x2048xf32, #tpu.memory_space<vmem>>, vector<1x16xf32>,
      %swap3A_30 = vector.shape_cast %swap3A_29 : vector<1x16xf32> to vector<16xf32>
      %swap3A_31 = vector.shape_cast %broadcast_in_dim3A_2 : vector<16xf32> to vector<1x16xf32>
      tpu.vector_store %arg6[%swap3A_27, %swap3A_28], %swap3A_31 {strides = array<i32>} : memref<1x2048xf32, #tpu.memory_space<vmem>>, vector<1x16xf32>,
      %scan3A_32 = arith.constant 0 : i32
      scf.yield %scan3A_32 : i32
    }
    %scan3A_8 = arith.constant 128 : i32
    %add3A_9 = arith.constant 0 : i32
    %add3A_10 = arith.addi %add3A_1, %add3A_9 : i32
    %dma_start3A = arith.constant 0 : i32
    %dma_start3A_11 = tpu.memref_slice %arg2[%arg0, %add3A_10, %dma_start3A] : memref<2x24576x2048xf32, #tpu.memory_space<hbm>> -> memref<1x16x2048xf32, #tpu.memory_space<hbm>>
    %dma_start3A_12 = tpu.memref_squeeze %dma_start3A_11 : memref<1x16x2048xf32, #tpu.memory_space<hbm>> -> memref<16x2048xf32, #tpu.memory_space<hbm>>
    %dma_start3A_13 = arith.constant 0 : i32
    %dma_start3A_14 = tpu.memref_slice %arg2[%arg0, %add3A_10, %dma_start3A_13] : memref<2x24576x2048xf32, #tpu.memory_space<hbm>> -> memref<1x16x2048xf32, #tpu.memory_space<hbm>>
    %dma_start3A_15 = tpu.memref_squeeze %dma_start3A_14 : memref<1x16x2048xf32, #tpu.memory_space<hbm>> -> memref<16x2048xf32, #tpu.memory_space<hbm>>
    tpu.enqueue_dma source(%dma_start3A_15 : memref<16x2048xf32, #tpu.memory_space<hbm>>) target(%arg4 : memref<16x2048xf32, #tpu.memory_space<vmem>>) target_semaphore(%arg7 : memref<!tpu.dma_semaphore, #tpu.memory_space<semaphore_mem>>)
    %scan3A_16 = arith.constant 0 : i32
    %scan3A_17 = arith.constant 0 : i32
    %scan3A_18 = arith.constant 9 : i32
    %scan3A_19 = arith.addi %scan3A_17, %scan3A_18 : i32
    %scan3A_20 = arith.constant 1 : i32
    %scan3A_21 = scf.for %scan3A_23 = %scan3A_17 to %scan3A_19 step %scan3A_20 iter_args(%scan3A_24 = %scan3A_16) -> (i32)  : i32 {
      %mul3A_25 = arith.constant 2 : i32
      %mul3A_26 = arith.muli %scan3A_23, %mul3A_25 : i32
      %add3A_27 = arith.constant 1 : i32
      %add3A_28 = arith.addi %mul3A_26, %add3A_27 : i32
      %mul3A_29 = arith.constant 16 : i32
      %mul3A_30 = arith.muli %add3A_28, %mul3A_29 : i32
      %add3A_31 = arith.addi %add3A_1, %mul3A_30 : i32
      %dma_start3A_32 = arith.constant 0 : i32
      %dma_start3A_33 = tpu.memref_slice %arg2[%arg0, %add3A_31, %dma_start3A_32] : memref<2x24576x2048xf32, #tpu.memory_space<hbm>> -> memref<1x16x2048xf32, #tpu.memory_space<hbm>>
      %dma_start3A_34 = tpu.memref_squeeze %dma_start3A_33 : memref<1x16x2048xf32, #tpu.memory_space<hbm>> -> memref<16x2048xf32, #tpu.memory_space<hbm>>
      %dma_start3A_35 = arith.constant 0 : i32
      %dma_start3A_36 = tpu.memref_slice %arg2[%arg0, %add3A_31, %dma_start3A_35] : memref<2x24576x2048xf32, #tpu.memory_space<hbm>> -> memref<1x16x2048xf32, #tpu.memory_space<hbm>>
      %dma_start3A_37 = tpu.memref_squeeze %dma_start3A_36 : memref<1x16x2048xf32, #tpu.memory_space<hbm>> -> memref<16x2048xf32, #tpu.memory_space<hbm>>
      tpu.enqueue_dma source(%dma_start3A_37 : memref<16x2048xf32, #tpu.memory_space<hbm>>) target(%arg5 : memref<16x2048xf32, #tpu.memory_space<vmem>>) target_semaphore(%arg8 : memref<!tpu.dma_semaphore, #tpu.memory_space<semaphore_mem>>)
      %dma_wait3A = arith.constant 0 : i32
      %dma_wait3A_38 = tpu.memref_slice %arg2[%arg0, %add3A_1, %dma_wait3A] : memref<2x24576x2048xf32, #tpu.memory_space<hbm>> -> memref<1x16x2048xf32, #tpu.memory_space<hbm>>
      %dma_wait3A_39 = tpu.memref_squeeze %dma_wait3A_38 : memref<1x16x2048xf32, #tpu.memory_space<hbm>> -> memref<16x2048xf32, #tpu.memory_space<hbm>>
      %dma_wait3A_40 = arith.constant 0 : i32
      %dma_wait3A_41 = tpu.memref_slice %arg2[%arg0, %add3A_1, %dma_wait3A_40] : memref<2x24576x2048xf32, #tpu.memory_space<hbm>> -> memref<1x16x2048xf32, #tpu.memory_space<hbm>>
      %dma_wait3A_42 = tpu.memref_squeeze %dma_wait3A_41 : memref<1x16x2048xf32, #tpu.memory_space<hbm>> -> memref<16x2048xf32, #tpu.memory_space<hbm>>
      tpu.wait_dma2 semaphore(%arg7 : memref<!tpu.dma_semaphore, #tpu.memory_space<semaphore_mem>>) src(%dma_wait3A_42 : memref<16x2048xf32, #tpu.memory_space<hbm>>) dst(%arg4 : memref<16x2048xf32, #tpu.memory_space<vmem>>)
      %scan3A_43 = arith.constant 0 : i32
      %scan3A_44 = arith.constant 0 : i32
      %scan3A_45 = arith.constant 128 : i32
      %scan3A_46 = arith.addi %scan3A_44, %scan3A_45 : i32
      %scan3A_47 = arith.constant 2 : i32
      %scan3A_48 = scf.for %scan3A_68 = %scan3A_44 to %scan3A_46 step %scan3A_47 iter_args(%scan3A_69 = %scan3A_43) -> (i32)  : i32 {
        %mul3A_70 = arith.constant 16 : i32
        %mul3A_71 = arith.muli %scan3A_68, %mul3A_70 : i32
        %scan3A_72 = arith.constant 0 : i32
        %scan3A_73 = arith.constant 4 : i32
        %scan3A_74 = arith.addi %scan3A_72, %scan3A_73 : i32
        %scan3A_75 = arith.constant 2 : i32
        %scan3A_76:4 = scf.for %scan3A_107 = %scan3A_72 to %scan3A_74 step %scan3A_75 iter_args(%scan3A_108 = %broadcast_in_dim3A_2, %scan3A_109 = %broadcast_in_dim3A_2, %scan3A_110 = %broadcast_in_dim3A_2, %scan3A_111 = %broadcast_in_dim3A_2) -> (vector<16xf32>, vector<16xf32>, vector<16xf32>, vector<16xf32>)  : i32 {
          %mul3A_112 = arith.constant 4 : i32
          %mul3A_113 = arith.muli %scan3A_107, %mul3A_112 : i32
          %get3A = arith.index_cast %mul3A_113 : i32 to index
          %get3A_114 = arith.index_cast %mul3A_71 : i32 to index
          %get3A_115 = tpu.vector_load %arg4[%get3A, %get3A_114] {strides = array<i32>} : memref<16x2048xf32, #tpu.memory_space<vmem>>, vector<1x16xf32>,
          %get3A_116 = vector.shape_cast %get3A_115 : vector<1x16xf32> to vector<16xf32>
          %add3A_117 = arith.addf %scan3A_108, %get3A_116 : vector<16xf32>
          %add3A_118 = arith.constant 1 : i32
          %add3A_119 = arith.addi %mul3A_113, %add3A_118 : i32
          %get3A_120 = arith.index_cast %add3A_119 : i32 to index
          %get3A_121 = arith.index_cast %mul3A_71 : i32 to index
          %get3A_122 = tpu.vector_load %arg4[%get3A_120, %get3A_121] {strides = array<i32>} : memref<16x2048xf32, #tpu.memory_space<vmem>>, vector<1x16xf32>,
          %get3A_123 = vector.shape_cast %get3A_122 : vector<1x16xf32> to vector<16xf32>
          %add3A_124 = arith.addf %scan3A_109, %get3A_123 : vector<16xf32>
          %add3A_125 = arith.constant 2 : i32
          %add3A_126 = arith.addi %mul3A_113, %add3A_125 : i32
          %get3A_127 = arith.index_cast %add3A_126 : i32 to index
          %get3A_128 = arith.index_cast %mul3A_71 : i32 to index
          %get3A_129 = tpu.vector_load %arg4[%get3A_127, %get3A_128] {strides = array<i32>} : memref<16x2048xf32, #tpu.memory_space<vmem>>, vector<1x16xf32>,
          %get3A_130 = vector.shape_cast %get3A_129 : vector<1x16xf32> to vector<16xf32>
          %add3A_131 = arith.addf %scan3A_110, %get3A_130 : vector<16xf32>
          %add3A_132 = arith.constant 3 : i32
          %add3A_133 = arith.addi %mul3A_113, %add3A_132 : i32
          %get3A_134 = arith.index_cast %add3A_133 : i32 to index
          %get3A_135 = arith.index_cast %mul3A_71 : i32 to index
          %get3A_136 = tpu.vector_load %arg4[%get3A_134, %get3A_135] {strides = array<i32>} : memref<16x2048xf32, #tpu.memory_space<vmem>>, vector<1x16xf32>,
          %get3A_137 = vector.shape_cast %get3A_136 : vector<1x16xf32> to vector<16xf32>
          %add3A_138 = arith.addf %scan3A_111, %get3A_137 : vector<16xf32>
          %scan3A_139 = arith.constant 1 : i32
          %scan3A_140 = arith.addi %scan3A_107, %scan3A_139 : i32
          %mul3A_141 = arith.constant 4 : i32
          %mul3A_142 = arith.muli %scan3A_140, %mul3A_141 : i32
          %get3A_143 = arith.index_cast %mul3A_142 : i32 to index
          %get3A_144 = arith.index_cast %mul3A_71 : i32 to index
          %get3A_145 = tpu.vector_load %arg4[%get3A_143, %get3A_144] {strides = array<i32>} : memref<16x2048xf32, #tpu.memory_space<vmem>>, vector<1x16xf32>,
          %get3A_146 = vector.shape_cast %get3A_145 : vector<1x16xf32> to vector<16xf32>
          %add3A_147 = arith.addf %add3A_117, %get3A_146 : vector<16xf32>
          %add3A_148 = arith.constant 1 : i32
          %add3A_149 = arith.addi %mul3A_142, %add3A_148 : i32
          %get3A_150 = arith.index_cast %add3A_149 : i32 to index
          %get3A_151 = arith.index_cast %mul3A_71 : i32 to index
          %get3A_152 = tpu.vector_load %arg4[%get3A_150, %get3A_151] {strides = array<i32>} : memref<16x2048xf32, #tpu.memory_space<vmem>>, vector<1x16xf32>,
          %get3A_153 = vector.shape_cast %get3A_152 : vector<1x16xf32> to vector<16xf32>
          %add3A_154 = arith.addf %add3A_124, %get3A_153 : vector<16xf32>
          %add3A_155 = arith.constant 2 : i32
          %add3A_156 = arith.addi %mul3A_142, %add3A_155 : i32
          %get3A_157 = arith.index_cast %add3A_156 : i32 to index
          %get3A_158 = arith.index_cast %mul3A_71 : i32 to index
          %get3A_159 = tpu.vector_load %arg4[%get3A_157, %get3A_158] {strides = array<i32>} : memref<16x2048xf32, #tpu.memory_space<vmem>>, vector<1x16xf32>,
          %get3A_160 = vector.shape_cast %get3A_159 : vector<1x16xf32> to vector<16xf32>
          %add3A_161 = arith.addf %add3A_131, %get3A_160 : vector<16xf32>
          %add3A_162 = arith.constant 3 : i32
          %add3A_163 = arith.addi %mul3A_142, %add3A_162 : i32
          %get3A_164 = arith.index_cast %add3A_163 : i32 to index
          %get3A_165 = arith.index_cast %mul3A_71 : i32 to index
          %get3A_166 = tpu.vector_load %arg4[%get3A_164, %get3A_165] {strides = array<i32>} : memref<16x2048xf32, #tpu.memory_space<vmem>>, vector<1x16xf32>,
          %get3A_167 = vector.shape_cast %get3A_166 : vector<1x16xf32> to vector<16xf32>
          %add3A_168 = arith.addf %add3A_138, %get3A_167 : vector<16xf32>
          scf.yield %add3A_147, %add3A_154, %add3A_161, %add3A_168 : vector<16xf32>, vector<16xf32>, vector<16xf32>, vector<16xf32>
        }
        %scan3A_77 = arith.constant 4 : i32
        %add3A_78 = arith.addf %scan3A_76#0, %scan3A_76#1 : vector<16xf32>
        %add3A_79 = arith.addf %scan3A_76#2, %scan3A_76#3 : vector<16xf32>
        %add3A_80 = arith.addf %add3A_78, %add3A_79 : vector<16xf32>
        %swap3A = arith.constant 0 : i32
        %swap3A_81 = arith.index_cast %swap3A : i32 to index
        %swap3A_82 = arith.index_cast %mul3A_71 : i32 to index
        %swap3A_83 = tpu.vector_load %arg6[%swap3A_81, %swap3A_82] {strides = array<i32>} : memref<1x2048xf32, #tpu.memory_space<vmem>>, vector<1x16xf32>,
        %swap3A_84 = vector.shape_cast %swap3A_83 : vector<1x16xf32> to vector<16xf32>
        %swap3A_85 = vector.shape_cast %add3A_80 : vector<16xf32> to vector<1x16xf32>
        tpu.vector_store %arg6[%swap3A_81, %swap3A_82], %swap3A_85 {add = true, strides = array<i32>} : memref<1x2048xf32, #tpu.memory_space<vmem>>, vector<1x16xf32>,
        %scan3A_86 = arith.constant 0 : i32
        %scan3A_87 = arith.constant 1 : i32
        %scan3A_88 = arith.addi %scan3A_68, %scan3A_87 : i32
        %mul3A_89 = arith.constant 16 : i32
        %mul3A_90 = arith.muli %scan3A_88, %mul3A_89 : i32
        %scan3A_91 = arith.constant 0 : i32
        %scan3A_92 = arith.constant 4 : i32
        %scan3A_93 = arith.addi %scan3A_91, %scan3A_92 : i32
        %scan3A_94 = arith.constant 2 : i32
        %scan3A_95:4 = scf.for %scan3A_107 = %scan3A_91 to %scan3A_93 step %scan3A_94 iter_args(%scan3A_108 = %broadcast_in_dim3A_2, %scan3A_109 = %broadcast_in_dim3A_2, %scan3A_110 = %broadcast_in_dim3A_2, %scan3A_111 = %broadcast_in_dim3A_2) -> (vector<16xf32>, vector<16xf32>, vector<16xf32>, vector<16xf32>)  : i32 {
          %mul3A_112 = arith.constant 4 : i32
          %mul3A_113 = arith.muli %scan3A_107, %mul3A_112 : i32
          %get3A = arith.index_cast %mul3A_113 : i32 to index
          %get3A_114 = arith.index_cast %mul3A_90 : i32 to index
          %get3A_115 = tpu.vector_load %arg4[%get3A, %get3A_114] {strides = array<i32>} : memref<16x2048xf32, #tpu.memory_space<vmem>>, vector<1x16xf32>,
          %get3A_116 = vector.shape_cast %get3A_115 : vector<1x16xf32> to vector<16xf32>
          %add3A_117 = arith.addf %scan3A_108, %get3A_116 : vector<16xf32>
          %add3A_118 = arith.constant 1 : i32
          %add3A_119 = arith.addi %mul3A_113, %add3A_118 : i32
          %get3A_120 = arith.index_cast %add3A_119 : i32 to index
          %get3A_121 = arith.index_cast %mul3A_90 : i32 to index
          %get3A_122 = tpu.vector_load %arg4[%get3A_120, %get3A_121] {strides = array<i32>} : memref<16x2048xf32, #tpu.memory_space<vmem>>, vector<1x16xf32>,
          %get3A_123 = vector.shape_cast %get3A_122 : vector<1x16xf32> to vector<16xf32>
          %add3A_124 = arith.addf %scan3A_109, %get3A_123 : vector<16xf32>
          %add3A_125 = arith.constant 2 : i32
          %add3A_126 = arith.addi %mul3A_113, %add3A_125 : i32
          %get3A_127 = arith.index_cast %add3A_126 : i32 to index
          %get3A_128 = arith.index_cast %mul3A_90 : i32 to index
          %get3A_129 = tpu.vector_load %arg4[%get3A_127, %get3A_128] {strides = array<i32>} : memref<16x2048xf32, #tpu.memory_space<vmem>>, vector<1x16xf32>,
          %get3A_130 = vector.shape_cast %get3A_129 : vector<1x16xf32> to vector<16xf32>
          %add3A_131 = arith.addf %scan3A_110, %get3A_130 : vector<16xf32>
          %add3A_132 = arith.constant 3 : i32
          %add3A_133 = arith.addi %mul3A_113, %add3A_132 : i32
          %get3A_134 = arith.index_cast %add3A_133 : i32 to index
          %get3A_135 = arith.index_cast %mul3A_90 : i32 to index
          %get3A_136 = tpu.vector_load %arg4[%get3A_134, %get3A_135] {strides = array<i32>} : memref<16x2048xf32, #tpu.memory_space<vmem>>, vector<1x16xf32>,
          %get3A_137 = vector.shape_cast %get3A_136 : vector<1x16xf32> to vector<16xf32>
          %add3A_138 = arith.addf %scan3A_111, %get3A_137 : vector<16xf32>
          %scan3A_139 = arith.constant 1 : i32
          %scan3A_140 = arith.addi %scan3A_107, %scan3A_139 : i32
          %mul3A_141 = arith.constant 4 : i32
          %mul3A_142 = arith.muli %scan3A_140, %mul3A_141 : i32
          %get3A_143 = arith.index_cast %mul3A_142 : i32 to index
          %get3A_144 = arith.index_cast %mul3A_90 : i32 to index
          %get3A_145 = tpu.vector_load %arg4[%get3A_143, %get3A_144] {strides = array<i32>} : memref<16x2048xf32, #tpu.memory_space<vmem>>, vector<1x16xf32>,
          %get3A_146 = vector.shape_cast %get3A_145 : vector<1x16xf32> to vector<16xf32>
          %add3A_147 = arith.addf %add3A_117, %get3A_146 : vector<16xf32>
          %add3A_148 = arith.constant 1 : i32
          %add3A_149 = arith.addi %mul3A_142, %add3A_148 : i32
          %get3A_150 = arith.index_cast %add3A_149 : i32 to index
          %get3A_151 = arith.index_cast %mul3A_90 : i32 to index
          %get3A_152 = tpu.vector_load %arg4[%get3A_150, %get3A_151] {strides = array<i32>} : memref<16x2048xf32, #tpu.memory_space<vmem>>, vector<1x16xf32>,
          %get3A_153 = vector.shape_cast %get3A_152 : vector<1x16xf32> to vector<16xf32>
          %add3A_154 = arith.addf %add3A_124, %get3A_153 : vector<16xf32>
          %add3A_155 = arith.constant 2 : i32
          %add3A_156 = arith.addi %mul3A_142, %add3A_155 : i32
          %get3A_157 = arith.index_cast %add3A_156 : i32 to index
          %get3A_158 = arith.index_cast %mul3A_90 : i32 to index
          %get3A_159 = tpu.vector_load %arg4[%get3A_157, %get3A_158] {strides = array<i32>} : memref<16x2048xf32, #tpu.memory_space<vmem>>, vector<1x16xf32>,
          %get3A_160 = vector.shape_cast %get3A_159 : vector<1x16xf32> to vector<16xf32>
          %add3A_161 = arith.addf %add3A_131, %get3A_160 : vector<16xf32>
          %add3A_162 = arith.constant 3 : i32
          %add3A_163 = arith.addi %mul3A_142, %add3A_162 : i32
          %get3A_164 = arith.index_cast %add3A_163 : i32 to index
          %get3A_165 = arith.index_cast %mul3A_90 : i32 to index
          %get3A_166 = tpu.vector_load %arg4[%get3A_164, %get3A_165] {strides = array<i32>} : memref<16x2048xf32, #tpu.memory_space<vmem>>, vector<1x16xf32>,
          %get3A_167 = vector.shape_cast %get3A_166 : vector<1x16xf32> to vector<16xf32>
          %add3A_168 = arith.addf %add3A_138, %get3A_167 : vector<16xf32>
          scf.yield %add3A_147, %add3A_154, %add3A_161, %add3A_168 : vector<16xf32>, vector<16xf32>, vector<16xf32>, vector<16xf32>
        }
        %scan3A_96 = arith.constant 4 : i32
        %add3A_97 = arith.addf %scan3A_95#0, %scan3A_95#1 : vector<16xf32>
        %add3A_98 = arith.addf %scan3A_95#2, %scan3A_95#3 : vector<16xf32>
        %add3A_99 = arith.addf %add3A_97, %add3A_98 : vector<16xf32>
        %swap3A_100 = arith.constant 0 : i32
        %swap3A_101 = arith.index_cast %swap3A_100 : i32 to index
        %swap3A_102 = arith.index_cast %mul3A_90 : i32 to index
        %swap3A_103 = tpu.vector_load %arg6[%swap3A_101, %swap3A_102] {strides = array<i32>} : memref<1x2048xf32, #tpu.memory_space<vmem>>, vector<1x16xf32>,
        %swap3A_104 = vector.shape_cast %swap3A_103 : vector<1x16xf32> to vector<16xf32>
        %swap3A_105 = vector.shape_cast %add3A_99 : vector<16xf32> to vector<1x16xf32>
        tpu.vector_store %arg6[%swap3A_101, %swap3A_102], %swap3A_105 {add = true, strides = array<i32>} : memref<1x2048xf32, #tpu.memory_space<vmem>>, vector<1x16xf32>,
        %scan3A_106 = arith.constant 0 : i32
        scf.yield %scan3A_106 : i32
      }
      %scan3A_49 = arith.constant 128 : i32
      %add3A_50 = arith.constant 2 : i32
      %add3A_51 = arith.addi %mul3A_26, %add3A_50 : i32
      %lt3A = arith.constant 18 : i32
      %lt3A_52 = arith.cmpi slt, %add3A_51, %lt3A : i32
      %convert_element_type3A = arith.extui %lt3A_52 : i1 to i32
      %cond3A = arith.constant 0 : i32
      %cond3A_53 = arith.cmpi ne, %convert_element_type3A, %cond3A : i32
      scf.if %cond3A_53 {
        %add3A_68 = arith.constant 2 : i32
        %add3A_69 = arith.addi %mul3A_26, %add3A_68 : i32
        %mul3A_70 = arith.constant 16 : i32
        %mul3A_71 = arith.muli %add3A_69, %mul3A_70 : i32
        %add3A_72 = arith.addi %add3A_1, %mul3A_71 : i32
        %dma_start3A_73 = arith.constant 0 : i32
        %dma_start3A_74 = tpu.memref_slice %arg2[%arg0, %add3A_72, %dma_start3A_73] : memref<2x24576x2048xf32, #tpu.memory_space<hbm>> -> memref<1x16x2048xf32, #tpu.memory_space<hbm>>
        %dma_start3A_75 = tpu.memref_squeeze %dma_start3A_74 : memref<1x16x2048xf32, #tpu.memory_space<hbm>> -> memref<16x2048xf32, #tpu.memory_space<hbm>>
        %dma_start3A_76 = arith.constant 0 : i32
        %dma_start3A_77 = tpu.memref_slice %arg2[%arg0, %add3A_72, %dma_start3A_76] : memref<2x24576x2048xf32, #tpu.memory_space<hbm>> -> memref<1x16x2048xf32, #tpu.memory_space<hbm>>
        %dma_start3A_78 = tpu.memref_squeeze %dma_start3A_77 : memref<1x16x2048xf32, #tpu.memory_space<hbm>> -> memref<16x2048xf32, #tpu.memory_space<hbm>>
        tpu.enqueue_dma source(%dma_start3A_78 : memref<16x2048xf32, #tpu.memory_space<hbm>>) target(%arg4 : memref<16x2048xf32, #tpu.memory_space<vmem>>) target_semaphore(%arg7 : memref<!tpu.dma_semaphore, #tpu.memory_space<semaphore_mem>>)
      } else {
      }
      %dma_wait3A_54 = arith.constant 0 : i32
      %dma_wait3A_55 = tpu.memref_slice %arg2[%arg0, %add3A_1, %dma_wait3A_54] : memref<2x24576x2048xf32, #tpu.memory_space<hbm>> -> memref<1x16x2048xf32, #tpu.memory_space<hbm>>
      %dma_wait3A_56 = tpu.memref_squeeze %dma_wait3A_55 : memref<1x16x2048xf32, #tpu.memory_space<hbm>> -> memref<16x2048xf32, #tpu.memory_space<hbm>>
      %dma_wait3A_57 = arith.constant 0 : i32
      %dma_wait3A_58 = tpu.memref_slice %arg2[%arg0, %add3A_1, %dma_wait3A_57] : memref<2x24576x2048xf32, #tpu.memory_space<hbm>> -> memref<1x16x2048xf32, #tpu.memory_space<hbm>>
      %dma_wait3A_59 = tpu.memref_squeeze %dma_wait3A_58 : memref<1x16x2048xf32, #tpu.memory_space<hbm>> -> memref<16x2048xf32, #tpu.memory_space<hbm>>
      tpu.wait_dma2 semaphore(%arg8 : memref<!tpu.dma_semaphore, #tpu.memory_space<semaphore_mem>>) src(%dma_wait3A_59 : memref<16x2048xf32, #tpu.memory_space<hbm>>) dst(%arg5 : memref<16x2048xf32, #tpu.memory_space<vmem>>)
      %scan3A_60 = arith.constant 0 : i32
      %scan3A_61 = arith.constant 0 : i32
      %scan3A_62 = arith.constant 128 : i32
      %scan3A_63 = arith.addi %scan3A_61, %scan3A_62 : i32
      %scan3A_64 = arith.constant 2 : i32
      %scan3A_65 = scf.for %scan3A_68 = %scan3A_61 to %scan3A_63 step %scan3A_64 iter_args(%scan3A_69 = %scan3A_60) -> (i32)  : i32 {
        %mul3A_70 = arith.constant 16 : i32
        %mul3A_71 = arith.muli %scan3A_68, %mul3A_70 : i32
        %scan3A_72 = arith.constant 0 : i32
        %scan3A_73 = arith.constant 4 : i32
        %scan3A_74 = arith.addi %scan3A_72, %scan3A_73 : i32
        %scan3A_75 = arith.constant 2 : i32
        %scan3A_76:4 = scf.for %scan3A_107 = %scan3A_72 to %scan3A_74 step %scan3A_75 iter_args(%scan3A_108 = %broadcast_in_dim3A_2, %scan3A_109 = %broadcast_in_dim3A_2, %scan3A_110 = %broadcast_in_dim3A_2, %scan3A_111 = %broadcast_in_dim3A_2) -> (vector<16xf32>, vector<16xf32>, vector<16xf32>, vector<16xf32>)  : i32 {
          %mul3A_112 = arith.constant 4 : i32
          %mul3A_113 = arith.muli %scan3A_107, %mul3A_112 : i32
          %get3A = arith.index_cast %mul3A_113 : i32 to index
          %get3A_114 = arith.index_cast %mul3A_71 : i32 to index
          %get3A_115 = tpu.vector_load %arg5[%get3A, %get3A_114] {strides = array<i32>} : memref<16x2048xf32, #tpu.memory_space<vmem>>, vector<1x16xf32>,
          %get3A_116 = vector.shape_cast %get3A_115 : vector<1x16xf32> to vector<16xf32>
          %add3A_117 = arith.addf %scan3A_108, %get3A_116 : vector<16xf32>
          %add3A_118 = arith.constant 1 : i32
          %add3A_119 = arith.addi %mul3A_113, %add3A_118 : i32
          %get3A_120 = arith.index_cast %add3A_119 : i32 to index
          %get3A_121 = arith.index_cast %mul3A_71 : i32 to index
          %get3A_122 = tpu.vector_load %arg5[%get3A_120, %get3A_121] {strides = array<i32>} : memref<16x2048xf32, #tpu.memory_space<vmem>>, vector<1x16xf32>,
          %get3A_123 = vector.shape_cast %get3A_122 : vector<1x16xf32> to vector<16xf32>
          %add3A_124 = arith.addf %scan3A_109, %get3A_123 : vector<16xf32>
          %add3A_125 = arith.constant 2 : i32
          %add3A_126 = arith.addi %mul3A_113, %add3A_125 : i32
          %get3A_127 = arith.index_cast %add3A_126 : i32 to index
          %get3A_128 = arith.index_cast %mul3A_71 : i32 to index
          %get3A_129 = tpu.vector_load %arg5[%get3A_127, %get3A_128] {strides = array<i32>} : memref<16x2048xf32, #tpu.memory_space<vmem>>, vector<1x16xf32>,
          %get3A_130 = vector.shape_cast %get3A_129 : vector<1x16xf32> to vector<16xf32>
          %add3A_131 = arith.addf %scan3A_110, %get3A_130 : vector<16xf32>
          %add3A_132 = arith.constant 3 : i32
          %add3A_133 = arith.addi %mul3A_113, %add3A_132 : i32
          %get3A_134 = arith.index_cast %add3A_133 : i32 to index
          %get3A_135 = arith.index_cast %mul3A_71 : i32 to index
          %get3A_136 = tpu.vector_load %arg5[%get3A_134, %get3A_135] {strides = array<i32>} : memref<16x2048xf32, #tpu.memory_space<vmem>>, vector<1x16xf32>,
          %get3A_137 = vector.shape_cast %get3A_136 : vector<1x16xf32> to vector<16xf32>
          %add3A_138 = arith.addf %scan3A_111, %get3A_137 : vector<16xf32>
          %scan3A_139 = arith.constant 1 : i32
          %scan3A_140 = arith.addi %scan3A_107, %scan3A_139 : i32
          %mul3A_141 = arith.constant 4 : i32
          %mul3A_142 = arith.muli %scan3A_140, %mul3A_141 : i32
          %get3A_143 = arith.index_cast %mul3A_142 : i32 to index
          %get3A_144 = arith.index_cast %mul3A_71 : i32 to index
          %get3A_145 = tpu.vector_load %arg5[%get3A_143, %get3A_144] {strides = array<i32>} : memref<16x2048xf32, #tpu.memory_space<vmem>>, vector<1x16xf32>,
          %get3A_146 = vector.shape_cast %get3A_145 : vector<1x16xf32> to vector<16xf32>
          %add3A_147 = arith.addf %add3A_117, %get3A_146 : vector<16xf32>
          %add3A_148 = arith.constant 1 : i32
          %add3A_149 = arith.addi %mul3A_142, %add3A_148 : i32
          %get3A_150 = arith.index_cast %add3A_149 : i32 to index
          %get3A_151 = arith.index_cast %mul3A_71 : i32 to index
          %get3A_152 = tpu.vector_load %arg5[%get3A_150, %get3A_151] {strides = array<i32>} : memref<16x2048xf32, #tpu.memory_space<vmem>>, vector<1x16xf32>,
          %get3A_153 = vector.shape_cast %get3A_152 : vector<1x16xf32> to vector<16xf32>
          %add3A_154 = arith.addf %add3A_124, %get3A_153 : vector<16xf32>
          %add3A_155 = arith.constant 2 : i32
          %add3A_156 = arith.addi %mul3A_142, %add3A_155 : i32
          %get3A_157 = arith.index_cast %add3A_156 : i32 to index
          %get3A_158 = arith.index_cast %mul3A_71 : i32 to index
          %get3A_159 = tpu.vector_load %arg5[%get3A_157, %get3A_158] {strides = array<i32>} : memref<16x2048xf32, #tpu.memory_space<vmem>>, vector<1x16xf32>,
          %get3A_160 = vector.shape_cast %get3A_159 : vector<1x16xf32> to vector<16xf32>
          %add3A_161 = arith.addf %add3A_131, %get3A_160 : vector<16xf32>
          %add3A_162 = arith.constant 3 : i32
          %add3A_163 = arith.addi %mul3A_142, %add3A_162 : i32
          %get3A_164 = arith.index_cast %add3A_163 : i32 to index
          %get3A_165 = arith.index_cast %mul3A_71 : i32 to index
          %get3A_166 = tpu.vector_load %arg5[%get3A_164, %get3A_165] {strides = array<i32>} : memref<16x2048xf32, #tpu.memory_space<vmem>>, vector<1x16xf32>,
          %get3A_167 = vector.shape_cast %get3A_166 : vector<1x16xf32> to vector<16xf32>
          %add3A_168 = arith.addf %add3A_138, %get3A_167 : vector<16xf32>
          scf.yield %add3A_147, %add3A_154, %add3A_161, %add3A_168 : vector<16xf32>, vector<16xf32>, vector<16xf32>, vector<16xf32>
        }
        %scan3A_77 = arith.constant 4 : i32
        %add3A_78 = arith.addf %scan3A_76#0, %scan3A_76#1 : vector<16xf32>
        %add3A_79 = arith.addf %scan3A_76#2, %scan3A_76#3 : vector<16xf32>
        %add3A_80 = arith.addf %add3A_78, %add3A_79 : vector<16xf32>
        %swap3A = arith.constant 0 : i32
        %swap3A_81 = arith.index_cast %swap3A : i32 to index
        %swap3A_82 = arith.index_cast %mul3A_71 : i32 to index
        %swap3A_83 = tpu.vector_load %arg6[%swap3A_81, %swap3A_82] {strides = array<i32>} : memref<1x2048xf32, #tpu.memory_space<vmem>>, vector<1x16xf32>,
        %swap3A_84 = vector.shape_cast %swap3A_83 : vector<1x16xf32> to vector<16xf32>
        %swap3A_85 = vector.shape_cast %add3A_80 : vector<16xf32> to vector<1x16xf32>
        tpu.vector_store %arg6[%swap3A_81, %swap3A_82], %swap3A_85 {add = true, strides = array<i32>} : memref<1x2048xf32, #tpu.memory_space<vmem>>, vector<1x16xf32>,
        %scan3A_86 = arith.constant 0 : i32
        %scan3A_87 = arith.constant 1 : i32
        %scan3A_88 = arith.addi %scan3A_68, %scan3A_87 : i32
        %mul3A_89 = arith.constant 16 : i32
        %mul3A_90 = arith.muli %scan3A_88, %mul3A_89 : i32
        %scan3A_91 = arith.constant 0 : i32
        %scan3A_92 = arith.constant 4 : i32
        %scan3A_93 = arith.addi %scan3A_91, %scan3A_92 : i32
        %scan3A_94 = arith.constant 2 : i32
        %scan3A_95:4 = scf.for %scan3A_107 = %scan3A_91 to %scan3A_93 step %scan3A_94 iter_args(%scan3A_108 = %broadcast_in_dim3A_2, %scan3A_109 = %broadcast_in_dim3A_2, %scan3A_110 = %broadcast_in_dim3A_2, %scan3A_111 = %broadcast_in_dim3A_2) -> (vector<16xf32>, vector<16xf32>, vector<16xf32>, vector<16xf32>)  : i32 {
          %mul3A_112 = arith.constant 4 : i32
          %mul3A_113 = arith.muli %scan3A_107, %mul3A_112 : i32
          %get3A = arith.index_cast %mul3A_113 : i32 to index
          %get3A_114 = arith.index_cast %mul3A_90 : i32 to index
          %get3A_115 = tpu.vector_load %arg5[%get3A, %get3A_114] {strides = array<i32>} : memref<16x2048xf32, #tpu.memory_space<vmem>>, vector<1x16xf32>,
          %get3A_116 = vector.shape_cast %get3A_115 : vector<1x16xf32> to vector<16xf32>
          %add3A_117 = arith.addf %scan3A_108, %get3A_116 : vector<16xf32>
          %add3A_118 = arith.constant 1 : i32
          %add3A_119 = arith.addi %mul3A_113, %add3A_118 : i32
          %get3A_120 = arith.index_cast %add3A_119 : i32 to index
          %get3A_121 = arith.index_cast %mul3A_90 : i32 to index
          %get3A_122 = tpu.vector_load %arg5[%get3A_120, %get3A_121] {strides = array<i32>} : memref<16x2048xf32, #tpu.memory_space<vmem>>, vector<1x16xf32>,
          %get3A_123 = vector.shape_cast %get3A_122 : vector<1x16xf32> to vector<16xf32>
          %add3A_124 = arith.addf %scan3A_109, %get3A_123 : vector<16xf32>
          %add3A_125 = arith.constant 2 : i32
          %add3A_126 = arith.addi %mul3A_113, %add3A_125 : i32
          %get3A_127 = arith.index_cast %add3A_126 : i32 to index
          %get3A_128 = arith.index_cast %mul3A_90 : i32 to index
          %get3A_129 = tpu.vector_load %arg5[%get3A_127, %get3A_128] {strides = array<i32>} : memref<16x2048xf32, #tpu.memory_space<vmem>>, vector<1x16xf32>,
          %get3A_130 = vector.shape_cast %get3A_129 : vector<1x16xf32> to vector<16xf32>
          %add3A_131 = arith.addf %scan3A_110, %get3A_130 : vector<16xf32>
          %add3A_132 = arith.constant 3 : i32
          %add3A_133 = arith.addi %mul3A_113, %add3A_132 : i32
          %get3A_134 = arith.index_cast %add3A_133 : i32 to index
          %get3A_135 = arith.index_cast %mul3A_90 : i32 to index
          %get3A_136 = tpu.vector_load %arg5[%get3A_134, %get3A_135] {strides = array<i32>} : memref<16x2048xf32, #tpu.memory_space<vmem>>, vector<1x16xf32>,
          %get3A_137 = vector.shape_cast %get3A_136 : vector<1x16xf32> to vector<16xf32>
          %add3A_138 = arith.addf %scan3A_111, %get3A_137 : vector<16xf32>
          %scan3A_139 = arith.constant 1 : i32
          %scan3A_140 = arith.addi %scan3A_107, %scan3A_139 : i32
          %mul3A_141 = arith.constant 4 : i32
          %mul3A_142 = arith.muli %scan3A_140, %mul3A_141 : i32
          %get3A_143 = arith.index_cast %mul3A_142 : i32 to index
          %get3A_144 = arith.index_cast %mul3A_90 : i32 to index
          %get3A_145 = tpu.vector_load %arg5[%get3A_143, %get3A_144] {strides = array<i32>} : memref<16x2048xf32, #tpu.memory_space<vmem>>, vector<1x16xf32>,
          %get3A_146 = vector.shape_cast %get3A_145 : vector<1x16xf32> to vector<16xf32>
          %add3A_147 = arith.addf %add3A_117, %get3A_146 : vector<16xf32>
          %add3A_148 = arith.constant 1 : i32
          %add3A_149 = arith.addi %mul3A_142, %add3A_148 : i32
          %get3A_150 = arith.index_cast %add3A_149 : i32 to index
          %get3A_151 = arith.index_cast %mul3A_90 : i32 to index
          %get3A_152 = tpu.vector_load %arg5[%get3A_150, %get3A_151] {strides = array<i32>} : memref<16x2048xf32, #tpu.memory_space<vmem>>, vector<1x16xf32>,
          %get3A_153 = vector.shape_cast %get3A_152 : vector<1x16xf32> to vector<16xf32>
          %add3A_154 = arith.addf %add3A_124, %get3A_153 : vector<16xf32>
          %add3A_155 = arith.constant 2 : i32
          %add3A_156 = arith.addi %mul3A_142, %add3A_155 : i32
          %get3A_157 = arith.index_cast %add3A_156 : i32 to index
          %get3A_158 = arith.index_cast %mul3A_90 : i32 to index
          %get3A_159 = tpu.vector_load %arg5[%get3A_157, %get3A_158] {strides = array<i32>} : memref<16x2048xf32, #tpu.memory_space<vmem>>, vector<1x16xf32>,
          %get3A_160 = vector.shape_cast %get3A_159 : vector<1x16xf32> to vector<16xf32>
          %add3A_161 = arith.addf %add3A_131, %get3A_160 : vector<16xf32>
          %add3A_162 = arith.constant 3 : i32
          %add3A_163 = arith.addi %mul3A_142, %add3A_162 : i32
          %get3A_164 = arith.index_cast %add3A_163 : i32 to index
          %get3A_165 = arith.index_cast %mul3A_90 : i32 to index
          %get3A_166 = tpu.vector_load %arg5[%get3A_164, %get3A_165] {strides = array<i32>} : memref<16x2048xf32, #tpu.memory_space<vmem>>, vector<1x16xf32>,
          %get3A_167 = vector.shape_cast %get3A_166 : vector<1x16xf32> to vector<16xf32>
          %add3A_168 = arith.addf %add3A_138, %get3A_167 : vector<16xf32>
          scf.yield %add3A_147, %add3A_154, %add3A_161, %add3A_168 : vector<16xf32>, vector<16xf32>, vector<16xf32>, vector<16xf32>
        }
        %scan3A_96 = arith.constant 4 : i32
        %add3A_97 = arith.addf %scan3A_95#0, %scan3A_95#1 : vector<16xf32>
        %add3A_98 = arith.addf %scan3A_95#2, %scan3A_95#3 : vector<16xf32>
        %add3A_99 = arith.addf %add3A_97, %add3A_98 : vector<16xf32>
        %swap3A_100 = arith.constant 0 : i32
        %swap3A_101 = arith.index_cast %swap3A_100 : i32 to index
        %swap3A_102 = arith.index_cast %mul3A_90 : i32 to index
        %swap3A_103 = tpu.vector_load %arg6[%swap3A_101, %swap3A_102] {strides = array<i32>} : memref<1x2048xf32, #tpu.memory_space<vmem>>, vector<1x16xf32>,
        %swap3A_104 = vector.shape_cast %swap3A_103 : vector<1x16xf32> to vector<16xf32>
        %swap3A_105 = vector.shape_cast %add3A_99 : vector<16xf32> to vector<1x16xf32>
        tpu.vector_store %arg6[%swap3A_101, %swap3A_102], %swap3A_105 {add = true, strides = array<i32>} : memref<1x2048xf32, #tpu.memory_space<vmem>>, vector<1x16xf32>,
        %scan3A_106 = arith.constant 0 : i32
        scf.yield %scan3A_106 : i32
      }
      %scan3A_66 = arith.constant 128 : i32
      %scan3A_67 = arith.constant 0 : i32
      scf.yield %scan3A_67 : i32
    }
    %scan3A_22 = arith.constant 9 : i32
    "tpu.region"() ({
      %run_scoped3A = tpu.sem_alloc : memref<!tpu.dma_semaphore, #tpu.memory_space<semaphore_mem>>
      %dma_start3A_23 = arith.constant 0 : i32
      %dma_start3A_24 = tpu.memref_slice %arg3[%arg0, %arg1, %dma_start3A_23] : memref<2x16x2048xf32, #tpu.memory_space<hbm>> -> memref<1x1x2048xf32, #tpu.memory_space<hbm>>
      %dma_start3A_25 = tpu.memref_squeeze %dma_start3A_24 : memref<1x1x2048xf32, #tpu.memory_space<hbm>> -> memref<1x2048xf32, #tpu.memory_space<hbm>>
      %dma_start3A_26 = arith.constant 0 : i32
      %dma_start3A_27 = tpu.memref_slice %arg3[%arg0, %arg1, %dma_start3A_26] : memref<2x16x2048xf32, #tpu.memory_space<hbm>> -> memref<1x1x2048xf32, #tpu.memory_space<hbm>>
      %dma_start3A_28 = tpu.memref_squeeze %dma_start3A_27 : memref<1x1x2048xf32, #tpu.memory_space<hbm>> -> memref<1x2048xf32, #tpu.memory_space<hbm>>
      tpu.enqueue_dma source(%arg6 : memref<1x2048xf32, #tpu.memory_space<vmem>>) target(%dma_start3A_28 : memref<1x2048xf32, #tpu.memory_space<hbm>>) target_semaphore(%run_scoped3A : memref<!tpu.dma_semaphore, #tpu.memory_space<semaphore_mem>>)
      %dma_wait3A = arith.constant 0 : i32
      %dma_wait3A_29 = tpu.memref_slice %arg3[%arg0, %arg1, %dma_wait3A] : memref<2x16x2048xf32, #tpu.memory_space<hbm>> -> memref<1x1x2048xf32, #tpu.memory_space<hbm>>
      %dma_wait3A_30 = tpu.memref_squeeze %dma_wait3A_29 : memref<1x1x2048xf32, #tpu.memory_space<hbm>> -> memref<1x2048xf32, #tpu.memory_space<hbm>>
      %dma_wait3A_31 = arith.constant 0 : i32
      %dma_wait3A_32 = tpu.memref_slice %arg3[%arg0, %arg1, %dma_wait3A_31] : memref<2x16x2048xf32, #tpu.memory_space<hbm>> -> memref<1x1x2048xf32, #tpu.memory_space<hbm>>
      %dma_wait3A_33 = tpu.memref_squeeze %dma_wait3A_32 : memref<1x1x2048xf32, #tpu.memory_space<hbm>> -> memref<1x2048xf32, #tpu.memory_space<hbm>>
      tpu.wait_dma2 semaphore(%run_scoped3A : memref<!tpu.dma_semaphore, #tpu.memory_space<semaphore_mem>>) src(%arg6 : memref<1x2048xf32, #tpu.memory_space<vmem>>) dst(%dma_wait3A_33 : memref<1x2048xf32, #tpu.memory_space<hbm>>)
      tpu.yield
    }) : () -> ()
    return
  }
}

module attributes {stable_mosaic.version = 14 : i64} {
  func.func @_tc_pass1_body(%arg0: i32, %arg1: i32, %arg2: memref<1x128x768xf32, #tpu.memory_space<vmem>>, %arg3: memref<1x768xf32, #tpu.memory_space<vmem>>, %arg4: memref<1x768xf32, #tpu.memory_space<vmem>>, %arg5: memref<768x768xf32, #tpu.memory_space<vmem>>, %arg6: memref<1x768xf32, #tpu.memory_space<vmem>>, %arg7: memref<1x768xf32, #tpu.memory_space<vmem>>, %arg8: memref<1x768xf32, #tpu.memory_space<vmem>>, %arg9: memref<1x768xf32, #tpu.memory_space<vmem>>, %arg10: memref<1x1248x2048xf32, #tpu.memory_space<vmem>>, %arg11: memref<1x1x2048xf32, #tpu.memory_space<vmem>>, %arg12: memref<1x1x128xf32, #tpu.memory_space<vmem>>) attributes {dimension_semantics = [#tpu.dimension_semantics<parallel>, #tpu.dimension_semantics<arbitrary>], iteration_bounds = array<i64: 2, 16>, scalar_prefetch = 0 : i64, scratch_operands = 0 : i64, tpu.core_type = #tpu.core_type<tc>, window_params = [{transform_indices = @transform_0, window_bounds = array<i64: 1, 128, 768>}, {pipeline_mode = #tpu.pipeline_mode<synchronous>, transform_indices = @transform_1, window_bounds = array<i64: 1, 768>}, {pipeline_mode = #tpu.pipeline_mode<synchronous>, transform_indices = @transform_2, window_bounds = array<i64: 1, 768>}, {pipeline_mode = #tpu.pipeline_mode<synchronous>, transform_indices = @transform_3, window_bounds = array<i64: 768, 768>}, {pipeline_mode = #tpu.pipeline_mode<synchronous>, transform_indices = @transform_4, window_bounds = array<i64: 1, 768>}, {pipeline_mode = #tpu.pipeline_mode<synchronous>, transform_indices = @transform_5, window_bounds = array<i64: 1, 768>}, {pipeline_mode = #tpu.pipeline_mode<synchronous>, transform_indices = @transform_6, window_bounds = array<i64: 1, 768>}, {pipeline_mode = #tpu.pipeline_mode<synchronous>, transform_indices = @transform_7, window_bounds = array<i64: 1, 768>}, {transform_indices = @transform_8, window_bounds = array<i64: 1, 1248, 2048>}, {transform_indices = @transform_9, window_bounds = array<i64: 1, 1, 2048>}, {transform_indices = @transform_10, window_bounds = array<i64: 1, 1, 128>}]} {
    %eq3A = arith.constant 0 : i32
    %eq3A_0 = arith.cmpi eq, %arg1, %eq3A : i32
    %convert_element_type3A = arith.extui %eq3A_0 : i1 to i32
    %cond3A = arith.constant 0 : i32
    %cond3A_1 = arith.cmpi ne, %convert_element_type3A, %cond3A : i32
    scf.if %cond3A_1 {
      %broadcast_in_dim3A_122 = arith.constant 0.000000e+00 : f32
      %broadcast_in_dim3A_123 = vector.broadcast %broadcast_in_dim3A_122 : f32 to vector<1x1x2048xf32>
      %swap3A_124 = arith.constant 0 : index
      %swap3A_125 = arith.constant 0 : index
      %swap3A_126 = arith.constant 0 : index
      %swap3A_127 = vector.load %arg11[%swap3A_124, %swap3A_125, %swap3A_126] : memref<1x1x2048xf32, #tpu.memory_space<vmem>>, vector<1x1x2048xf32>
      tpu.vector_store %arg11[%swap3A_124, %swap3A_125, %swap3A_126], %broadcast_in_dim3A_123 {strides = array<i32>} : memref<1x1x2048xf32, #tpu.memory_space<vmem>>, vector<1x1x2048xf32>,
    } else {
    }
    %get3A = arith.constant 0 : index
    %get3A_2 = arith.constant 0 : index
    %get3A_3 = arith.constant 0 : index
    %get3A_4 = vector.load %arg11[%get3A, %get3A_2, %get3A_3] : memref<1x1x2048xf32, #tpu.memory_space<vmem>>, vector<1x1x2048xf32>
    %get3A_5 = arith.constant 0 : index
    %get3A_6 = arith.constant 0 : index
    %get3A_7 = arith.constant 0 : index
    %get3A_8 = vector.load %arg10[%get3A_5, %get3A_6, %get3A_7] : memref<1x1248x2048xf32, #tpu.memory_space<vmem>>, vector<1x1248x2048xf32>
    %reduce_sum3A = arith.constant dense<0.000000e+00> : vector<1x2048xf32>
    %reduce_sum3A_9 = vector.multi_reduction <add>, %get3A_8, %reduce_sum3A [1] : vector<1x1248x2048xf32> to vector<1x2048xf32>
    %broadcast_in_dim3A = vector.shape_cast %reduce_sum3A_9 : vector<1x2048xf32> to vector<1x1x2048xf32>
    %add3A = arith.addf %get3A_4, %broadcast_in_dim3A : vector<1x1x2048xf32>
    %swap3A = arith.constant 0 : index
    %swap3A_10 = arith.constant 0 : index
    %swap3A_11 = arith.constant 0 : index
    %swap3A_12 = vector.load %arg11[%swap3A, %swap3A_10, %swap3A_11] : memref<1x1x2048xf32, #tpu.memory_space<vmem>>, vector<1x1x2048xf32>
    tpu.vector_store %arg11[%swap3A, %swap3A_10, %swap3A_11], %add3A {strides = array<i32>} : memref<1x1x2048xf32, #tpu.memory_space<vmem>>, vector<1x1x2048xf32>,
    %get3A_13 = arith.constant 0 : index
    %get3A_14 = arith.constant 0 : index
    %get3A_15 = arith.constant 0 : index
    %get3A_16 = vector.load %arg2[%get3A_13, %get3A_14, %get3A_15] : memref<1x128x768xf32, #tpu.memory_space<vmem>>, vector<1x128x768xf32>
    %get3A_17 = vector.shape_cast %get3A_16 : vector<1x128x768xf32> to vector<128x768xf32>
    %reduce_sum3A_18 = arith.constant dense<0.000000e+00> : vector<128xf32>
    %reduce_sum3A_19 = vector.multi_reduction <add>, %get3A_17, %reduce_sum3A_18 [1] : vector<128x768xf32> to vector<128xf32>
    %broadcast_in_dim3A_20 = vector.shape_cast %reduce_sum3A_19 : vector<128xf32> to vector<128x1xf32>
    %div3A = arith.constant 7.680000e+02 : f32
    %div3A_21 = vector.broadcast %div3A : f32 to vector<128x1xf32>
    %div3A_22 = arith.divf %broadcast_in_dim3A_20, %div3A_21 : vector<128x1xf32>
    %sub3A = vector.broadcast %div3A_22 : vector<128x1xf32> to vector<128x768xf32>
    %sub3A_23 = arith.subf %get3A_17, %sub3A : vector<128x768xf32>
    %integer_pow3A = arith.mulf %sub3A_23, %sub3A_23 : vector<128x768xf32>
    %reduce_sum3A_24 = arith.constant dense<0.000000e+00> : vector<128xf32>
    %reduce_sum3A_25 = vector.multi_reduction <add>, %integer_pow3A, %reduce_sum3A_24 [1] : vector<128x768xf32> to vector<128xf32>
    %broadcast_in_dim3A_26 = vector.shape_cast %reduce_sum3A_25 : vector<128xf32> to vector<128x1xf32>
    %div3A_27 = arith.constant 7.680000e+02 : f32
    %div3A_28 = vector.broadcast %div3A_27 : f32 to vector<128x1xf32>
    %div3A_29 = arith.divf %broadcast_in_dim3A_26, %div3A_28 : vector<128x1xf32>
    %sub3A_30 = vector.broadcast %div3A_22 : vector<128x1xf32> to vector<128x768xf32>
    %sub3A_31 = arith.subf %get3A_17, %sub3A_30 : vector<128x768xf32>
    %add3A_32 = arith.constant 9.99999974E-6 : f32
    %add3A_33 = vector.broadcast %add3A_32 : f32 to vector<128x1xf32>
    %add3A_34 = arith.addf %div3A_29, %add3A_33 : vector<128x1xf32>
    %rsqrt3A = math.rsqrt %add3A_34 : vector<128x1xf32>
    %mul3A = vector.broadcast %rsqrt3A : vector<128x1xf32> to vector<128x768xf32>
    %mul3A_35 = arith.mulf %sub3A_31, %mul3A : vector<128x768xf32>
    %get3A_36 = arith.constant 0 : index
    %get3A_37 = arith.constant 0 : index
    %get3A_38 = vector.load %arg3[%get3A_36, %get3A_37] : memref<1x768xf32, #tpu.memory_space<vmem>>, vector<1x768xf32>
    %get3A_39 = vector.shape_cast %get3A_38 : vector<1x768xf32> to vector<768xf32>
    %broadcast_in_dim3A_40 = vector.shape_cast %get3A_39 : vector<768xf32> to vector<1x768xf32>
    %mul3A_41 = vector.broadcast %broadcast_in_dim3A_40 : vector<1x768xf32> to vector<128x768xf32>
    %mul3A_42 = arith.mulf %mul3A_35, %mul3A_41 : vector<128x768xf32>
    %get3A_43 = arith.constant 0 : index
    %get3A_44 = arith.constant 0 : index
    %get3A_45 = vector.load %arg4[%get3A_43, %get3A_44] : memref<1x768xf32, #tpu.memory_space<vmem>>, vector<1x768xf32>
    %get3A_46 = vector.shape_cast %get3A_45 : vector<1x768xf32> to vector<768xf32>
    %broadcast_in_dim3A_47 = vector.shape_cast %get3A_46 : vector<768xf32> to vector<1x768xf32>
    %add3A_48 = vector.broadcast %broadcast_in_dim3A_47 : vector<1x768xf32> to vector<128x768xf32>
    %add3A_49 = arith.addf %mul3A_42, %add3A_48 : vector<128x768xf32>
    %get3A_50 = arith.constant 0 : index
    %get3A_51 = arith.constant 0 : index
    %get3A_52 = vector.load %arg5[%get3A_50, %get3A_51] : memref<768x768xf32, #tpu.memory_space<vmem>>, vector<768x768xf32>
    %dot_general3A = arith.constant dense<0.000000e+00> : vector<128x768xf32>
    %dot_general3A_53 = tpu.matmul %add3A_49, %get3A_52, %dot_general3A {dimension_numbers = #tpu.dot_dimension_numbers<[1], [0], [0], [1], [0, 0, 1, 1], [], []>, transpose_lhs_hint = false} : vector<128x768xf32>, vector<768x768xf32>, vector<128x768xf32> -> vector<128x768xf32>
    %get3A_54 = arith.constant 0 : index
    %get3A_55 = arith.constant 0 : index
    %get3A_56 = vector.load %arg6[%get3A_54, %get3A_55] : memref<1x768xf32, #tpu.memory_space<vmem>>, vector<1x768xf32>
    %get3A_57 = vector.shape_cast %get3A_56 : vector<1x768xf32> to vector<768xf32>
    %broadcast_in_dim3A_58 = vector.shape_cast %get3A_57 : vector<768xf32> to vector<1x768xf32>
    %add3A_59 = vector.broadcast %broadcast_in_dim3A_58 : vector<1x768xf32> to vector<128x768xf32>
    %add3A_60 = arith.addf %dot_general3A_53, %add3A_59 : vector<128x768xf32>
    %reduce_sum3A_61 = arith.constant dense<0.000000e+00> : vector<128xf32>
    %reduce_sum3A_62 = vector.multi_reduction <add>, %add3A_60, %reduce_sum3A_61 [1] : vector<128x768xf32> to vector<128xf32>
    %broadcast_in_dim3A_63 = vector.shape_cast %reduce_sum3A_62 : vector<128xf32> to vector<128x1xf32>
    %div3A_64 = arith.constant 7.680000e+02 : f32
    %div3A_65 = vector.broadcast %div3A_64 : f32 to vector<128x1xf32>
    %div3A_66 = arith.divf %broadcast_in_dim3A_63, %div3A_65 : vector<128x1xf32>
    %sub3A_67 = vector.broadcast %div3A_66 : vector<128x1xf32> to vector<128x768xf32>
    %sub3A_68 = arith.subf %add3A_60, %sub3A_67 : vector<128x768xf32>
    %integer_pow3A_69 = arith.mulf %sub3A_68, %sub3A_68 : vector<128x768xf32>
    %reduce_sum3A_70 = arith.constant dense<0.000000e+00> : vector<128xf32>
    %reduce_sum3A_71 = vector.multi_reduction <add>, %integer_pow3A_69, %reduce_sum3A_70 [1] : vector<128x768xf32> to vector<128xf32>
    %broadcast_in_dim3A_72 = vector.shape_cast %reduce_sum3A_71 : vector<128xf32> to vector<128x1xf32>
    %div3A_73 = arith.constant 7.680000e+02 : f32
    %div3A_74 = vector.broadcast %div3A_73 : f32 to vector<128x1xf32>
    %div3A_75 = arith.divf %broadcast_in_dim3A_72, %div3A_74 : vector<128x1xf32>
    %sub3A_76 = vector.broadcast %div3A_66 : vector<128x1xf32> to vector<128x768xf32>
    %sub3A_77 = arith.subf %add3A_60, %sub3A_76 : vector<128x768xf32>
    %add3A_78 = arith.constant 9.99999974E-6 : f32
    %add3A_79 = vector.broadcast %add3A_78 : f32 to vector<128x1xf32>
    %add3A_80 = arith.addf %div3A_75, %add3A_79 : vector<128x1xf32>
    %rsqrt3A_81 = math.rsqrt %add3A_80 : vector<128x1xf32>
    %mul3A_82 = vector.broadcast %rsqrt3A_81 : vector<128x1xf32> to vector<128x768xf32>
    %mul3A_83 = arith.mulf %sub3A_77, %mul3A_82 : vector<128x768xf32>
    %get3A_84 = arith.constant 0 : index
    %get3A_85 = arith.constant 0 : index
    %get3A_86 = vector.load %arg7[%get3A_84, %get3A_85] : memref<1x768xf32, #tpu.memory_space<vmem>>, vector<1x768xf32>
    %get3A_87 = vector.shape_cast %get3A_86 : vector<1x768xf32> to vector<768xf32>
    %broadcast_in_dim3A_88 = vector.shape_cast %get3A_87 : vector<768xf32> to vector<1x768xf32>
    %mul3A_89 = vector.broadcast %broadcast_in_dim3A_88 : vector<1x768xf32> to vector<128x768xf32>
    %mul3A_90 = arith.mulf %mul3A_83, %mul3A_89 : vector<128x768xf32>
    %get3A_91 = arith.constant 0 : index
    %get3A_92 = arith.constant 0 : index
    %get3A_93 = vector.load %arg8[%get3A_91, %get3A_92] : memref<1x768xf32, #tpu.memory_space<vmem>>, vector<1x768xf32>
    %get3A_94 = vector.shape_cast %get3A_93 : vector<1x768xf32> to vector<768xf32>
    %broadcast_in_dim3A_95 = vector.shape_cast %get3A_94 : vector<768xf32> to vector<1x768xf32>
    %add3A_96 = vector.broadcast %broadcast_in_dim3A_95 : vector<1x768xf32> to vector<128x768xf32>
    %add3A_97 = arith.addf %mul3A_90, %add3A_96 : vector<128x768xf32>
    %mul3A_98 = arith.constant 5.000000e-01 : f32
    %mul3A_99 = vector.broadcast %mul3A_98 : f32 to vector<128x768xf32>
    %mul3A_100 = arith.mulf %mul3A_99, %add3A_97 : vector<128x768xf32>
    %mul3A_101 = arith.constant 0.707106769 : f32
    %mul3A_102 = vector.broadcast %mul3A_101 : f32 to vector<128x768xf32>
    %mul3A_103 = arith.mulf %add3A_97, %mul3A_102 : vector<128x768xf32>
    %erf3A = math.erf %mul3A_103 : vector<128x768xf32>
    %add3A_104 = arith.constant 1.000000e+00 : f32
    %add3A_105 = vector.broadcast %add3A_104 : f32 to vector<128x768xf32>
    %add3A_106 = arith.addf %add3A_105, %erf3A : vector<128x768xf32>
    %mul3A_107 = arith.mulf %mul3A_100, %add3A_106 : vector<128x768xf32>
    %get3A_108 = arith.constant 0 : index
    %get3A_109 = arith.constant 0 : index
    %get3A_110 = vector.load %arg9[%get3A_108, %get3A_109] : memref<1x768xf32, #tpu.memory_space<vmem>>, vector<1x768xf32>
    %get3A_111 = vector.shape_cast %get3A_110 : vector<1x768xf32> to vector<768xf32>
    %broadcast_in_dim3A_112 = vector.shape_cast %get3A_111 : vector<768xf32> to vector<1x768xf32>
    %mul3A_113 = vector.broadcast %broadcast_in_dim3A_112 : vector<1x768xf32> to vector<128x768xf32>
    %mul3A_114 = arith.mulf %mul3A_107, %mul3A_113 : vector<128x768xf32>
    %reduce_sum3A_115 = arith.constant dense<0.000000e+00> : vector<128xf32>
    %reduce_sum3A_116 = vector.multi_reduction <add>, %mul3A_114, %reduce_sum3A_115 [1] : vector<128x768xf32> to vector<128xf32>
    %broadcast_in_dim3A_117 = vector.shape_cast %reduce_sum3A_116 : vector<128xf32> to vector<1x1x128xf32>
    %swap3A_118 = arith.constant 0 : index
    %swap3A_119 = arith.constant 0 : index
    %swap3A_120 = arith.constant 0 : index
    %swap3A_121 = vector.load %arg12[%swap3A_118, %swap3A_119, %swap3A_120] : memref<1x1x128xf32, #tpu.memory_space<vmem>>, vector<1x1x128xf32>
    tpu.vector_store %arg12[%swap3A_118, %swap3A_119, %swap3A_120], %broadcast_in_dim3A_117 {strides = array<i32>} : memref<1x1x128xf32, #tpu.memory_space<vmem>>, vector<1x1x128xf32>,
    return
  }
  func.func @transform_0(%arg0: i32, %arg1: i32) -> (i32, i32, i32) {
    %c0_i32 = arith.constant 0 : i32
    %c0_i32_0 = arith.constant 0 : i32
    return %arg0, %arg1, %c0_i32 : i32, i32, i32
  }
  func.func @transform_1(%arg0: i32, %arg1: i32) -> (i32, i32) {
    %c0_i32 = arith.constant 0 : i32
    %c0_i32_0 = arith.constant 0 : i32
    %c0_i32_1 = arith.constant 0 : i32
    return %c0_i32, %c0_i32_0 : i32, i32
  }
  func.func @transform_2(%arg0: i32, %arg1: i32) -> (i32, i32) {
    %c0_i32 = arith.constant 0 : i32
    %c0_i32_0 = arith.constant 0 : i32
    %c0_i32_1 = arith.constant 0 : i32
    return %c0_i32, %c0_i32_0 : i32, i32
  }
  func.func @transform_3(%arg0: i32, %arg1: i32) -> (i32, i32) {
    %c0_i32 = arith.constant 0 : i32
    %c0_i32_0 = arith.constant 0 : i32
    %c0_i32_1 = arith.constant 0 : i32
    return %c0_i32, %c0_i32_0 : i32, i32
  }
  func.func @transform_4(%arg0: i32, %arg1: i32) -> (i32, i32) {
    %c0_i32 = arith.constant 0 : i32
    %c0_i32_0 = arith.constant 0 : i32
    %c0_i32_1 = arith.constant 0 : i32
    return %c0_i32, %c0_i32_0 : i32, i32
  }
  func.func @transform_5(%arg0: i32, %arg1: i32) -> (i32, i32) {
    %c0_i32 = arith.constant 0 : i32
    %c0_i32_0 = arith.constant 0 : i32
    %c0_i32_1 = arith.constant 0 : i32
    return %c0_i32, %c0_i32_0 : i32, i32
  }
  func.func @transform_6(%arg0: i32, %arg1: i32) -> (i32, i32) {
    %c0_i32 = arith.constant 0 : i32
    %c0_i32_0 = arith.constant 0 : i32
    %c0_i32_1 = arith.constant 0 : i32
    return %c0_i32, %c0_i32_0 : i32, i32
  }
  func.func @transform_7(%arg0: i32, %arg1: i32) -> (i32, i32) {
    %c0_i32 = arith.constant 0 : i32
    %c0_i32_0 = arith.constant 0 : i32
    %c0_i32_1 = arith.constant 0 : i32
    return %c0_i32, %c0_i32_0 : i32, i32
  }
  func.func @transform_8(%arg0: i32, %arg1: i32) -> (i32, i32, i32) {
    %c0_i32 = arith.constant 0 : i32
    %c0_i32_0 = arith.constant 0 : i32
    return %arg0, %arg1, %c0_i32 : i32, i32, i32
  }
  func.func @transform_9(%arg0: i32, %arg1: i32) -> (i32, i32, i32) {
    %c0_i32 = arith.constant 0 : i32
    %c0_i32_0 = arith.constant 0 : i32
    %c0_i32_1 = arith.constant 0 : i32
    return %arg0, %c0_i32, %c0_i32_0 : i32, i32, i32
  }
  func.func @transform_10(%arg0: i32, %arg1: i32) -> (i32, i32, i32) {
    %c0_i32 = arith.constant 0 : i32
    %c0_i32_0 = arith.constant 0 : i32
    return %arg0, %c0_i32, %arg1 : i32, i32, i32
  }
}

module attributes {stable_mosaic.version = 14 : i64} {
  func.func @_tc_pass2_body(%arg0: i32, %arg1: memref<1xf32, #tpu.memory_space<smem>>, %arg2: memref<1x16x2048xf32, #tpu.memory_space<vmem>>, %arg3: memref<1x1x2048xf32, #tpu.memory_space<vmem>>, %arg4: memref<1x1x2048xf32, #tpu.memory_space<vmem>>, %arg5: memref<1x1x2048xf32, #tpu.memory_space<vmem>>) attributes {dimension_semantics = [#tpu.dimension_semantics<arbitrary>], iteration_bounds = array<i64: 2>, scalar_prefetch = 0 : i64, scratch_operands = 0 : i64, tpu.core_type = #tpu.core_type<tc>, window_params = [{transform_indices = @transform_0, window_bounds = array<i64: 1>}, {transform_indices = @transform_1, window_bounds = array<i64: 1, 16, 2048>}, {transform_indices = @transform_2, window_bounds = array<i64: 1, 1, 2048>}, {transform_indices = @transform_3, window_bounds = array<i64: 1, 1, 2048>}, {transform_indices = @transform_4, window_bounds = array<i64: 1, 1, 2048>}]} {
    %iota3A = tpu.iota {dimensions = array<i32: 1>} : vector<1x2048xi32>
    %get3A = arith.constant 0 : index
    %get3A_0 = arith.constant 0 : index
    %get3A_1 = arith.constant 0 : index
    %get3A_2 = vector.load %arg2[%get3A, %get3A_0, %get3A_1] : memref<1x16x2048xf32, #tpu.memory_space<vmem>>, vector<1x16x2048xf32>
    %get3A_3 = vector.shape_cast %get3A_2 : vector<1x16x2048xf32> to vector<16x2048xf32>
    %reduce_sum3A = arith.constant dense<0.000000e+00> : vector<2048xf32>
    %reduce_sum3A_4 = vector.multi_reduction <add>, %get3A_3, %reduce_sum3A [0] : vector<16x2048xf32> to vector<2048xf32>
    %broadcast_in_dim3A = vector.shape_cast %reduce_sum3A_4 : vector<2048xf32> to vector<1x2048xf32>
    %get3A_5 = arith.constant 0 : index
    %get3A_6 = arith.constant 0 : index
    %get3A_7 = arith.constant 0 : index
    %get3A_8 = vector.load %arg3[%get3A_5, %get3A_6, %get3A_7] : memref<1x1x2048xf32, #tpu.memory_space<vmem>>, vector<1x1x2048xf32>
    %get3A_9 = vector.shape_cast %get3A_8 : vector<1x1x2048xf32> to vector<1x2048xf32>
    %add3A = arith.addf %broadcast_in_dim3A, %get3A_9 : vector<1x2048xf32>
    %mul3A = arith.constant 4.06901054E-5 : f32
    %mul3A_10 = vector.broadcast %mul3A : f32 to vector<1x2048xf32>
    %mul3A_11 = arith.mulf %add3A, %mul3A_10 : vector<1x2048xf32>
    %eq3A = arith.constant 0 : i32
    %eq3A_12 = vector.broadcast %eq3A : i32 to vector<1x2048xi32>
    %eq3A_13 = arith.cmpi eq, %iota3A, %eq3A_12 : vector<1x2048xi32>
    %jit3A = arith.constant 0x7F800000 : f32
    %broadcast_in_dim3A_14 = vector.broadcast %jit3A : f32 to vector<1x2048xf32>
    %select_n3A = arith.select %eq3A_13, %broadcast_in_dim3A_14, %mul3A_11 : vector<1x2048xi1>, vector<1x2048xf32>
    %reduce_min3A = vector.shape_cast %select_n3A : vector<1x2048xf32> to vector<1x1x2048xf32>
    %reduce_min3A_15 = arith.constant dense<0x7F800000> : vector<1xf32>
    %reduce_min3A_16 = vector.multi_reduction <minimumf>, %reduce_min3A, %reduce_min3A_15 [1, 2] : vector<1x1x2048xf32> to vector<1xf32>
    %reduce_min3A_17 = vector.shape_cast %reduce_min3A_16 : vector<1xf32> to vector<1x1x1xf32>
    %reduce_min3A_18 = vector.extract %reduce_min3A_17[0, 0, 0] : f32 from vector<1x1x1xf32>
    %eq3A_19 = arith.constant 0 : i32
    %eq3A_20 = vector.broadcast %eq3A_19 : i32 to vector<1x2048xi32>
    %eq3A_21 = arith.cmpi eq, %iota3A, %eq3A_20 : vector<1x2048xi32>
    %jit3A_22 = arith.constant 0xFF800000 : f32
    %broadcast_in_dim3A_23 = vector.broadcast %jit3A_22 : f32 to vector<1x2048xf32>
    %select_n3A_24 = arith.select %eq3A_21, %broadcast_in_dim3A_23, %mul3A_11 : vector<1x2048xi1>, vector<1x2048xf32>
    %reduce_max3A = vector.shape_cast %select_n3A_24 : vector<1x2048xf32> to vector<1x1x2048xf32>
    %reduce_max3A_25 = arith.constant dense<0xFF800000> : vector<1xf32>
    %reduce_max3A_26 = vector.multi_reduction <maximumf>, %reduce_max3A, %reduce_max3A_25 [1, 2] : vector<1x1x2048xf32> to vector<1xf32>
    %reduce_max3A_27 = vector.shape_cast %reduce_max3A_26 : vector<1xf32> to vector<1x1x1xf32>
    %reduce_max3A_28 = vector.extract %reduce_max3A_27[0, 0, 0] : f32 from vector<1x1x1xf32>
    %sub3A = vector.broadcast %reduce_min3A_18 : f32 to vector<1x2048xf32>
    %sub3A_29 = arith.subf %mul3A_11, %sub3A : vector<1x2048xf32>
    %div3A = vector.broadcast %reduce_max3A_28 : f32 to vector<1x2048xf32>
    %div3A_30 = arith.divf %sub3A_29, %div3A : vector<1x2048xf32>
    %eq3A_31 = arith.constant 0 : i32
    %eq3A_32 = vector.broadcast %eq3A_31 : i32 to vector<1x2048xi32>
    %eq3A_33 = arith.cmpi eq, %iota3A, %eq3A_32 : vector<1x2048xi32>
    %jit3A_34 = arith.constant 1.000000e+00 : f32
    %broadcast_in_dim3A_35 = vector.broadcast %jit3A_34 : f32 to vector<1x2048xf32>
    %select_n3A_36 = arith.select %eq3A_33, %broadcast_in_dim3A_35, %div3A_30 : vector<1x2048xi1>, vector<1x2048xf32>
    %get3A_37 = arith.constant 0 : index
    %get3A_38 = arith.constant 0 : index
    %get3A_39 = arith.constant 0 : index
    %get3A_40 = vector.load %arg4[%get3A_37, %get3A_38, %get3A_39] : memref<1x1x2048xf32, #tpu.memory_space<vmem>>, vector<1x1x2048xf32>
    %get3A_41 = vector.shape_cast %get3A_40 : vector<1x1x2048xf32> to vector<1x2048xf32>
    %get3A_42 = arith.constant 0 : index
    %get3A_43 = memref.load %arg1[%get3A_42] : memref<1xf32, #tpu.memory_space<smem>>
    %add3A_44 = vector.broadcast %get3A_43 : f32 to vector<1x2048xf32>
    %add3A_45 = arith.addf %get3A_41, %add3A_44 : vector<1x2048xf32>
    %eq3A_46 = arith.constant 0 : i32
    %eq3A_47 = vector.broadcast %eq3A_46 : i32 to vector<1x2048xi32>
    %eq3A_48 = arith.cmpi eq, %iota3A, %eq3A_47 : vector<1x2048xi32>
    %add3A_49 = arith.constant 1.000000e+02 : f32
    %add3A_50 = vector.broadcast %add3A_49 : f32 to vector<1x2048xf32>
    %add3A_51 = arith.addf %add3A_45, %add3A_50 : vector<1x2048xf32>
    %select_n3A_52 = arith.select %eq3A_48, %add3A_51, %add3A_45 : vector<1x2048xi1>, vector<1x2048xf32>
    %logistic3A = arith.negf %select_n3A_52 : vector<1x2048xf32>
    %logistic3A_53 = math.exp %logistic3A : vector<1x2048xf32>
    %logistic3A_54 = arith.constant 1.000000e+00 : f32
    %logistic3A_55 = vector.broadcast %logistic3A_54 : f32 to vector<1x2048xf32>
    %logistic3A_56 = arith.addf %logistic3A_55, %logistic3A_53 : vector<1x2048xf32>
    %logistic3A_57 = arith.divf %logistic3A_55, %logistic3A_56 : vector<1x2048xf32>
    %add3A_58 = arith.addf %select_n3A_36, %logistic3A_57 : vector<1x2048xf32>
    %mul3A_59 = arith.constant 5.000000e-01 : f32
    %mul3A_60 = vector.broadcast %mul3A_59 : f32 to vector<1x2048xf32>
    %mul3A_61 = arith.mulf %add3A_58, %mul3A_60 : vector<1x2048xf32>
    %ge3A = arith.constant 5.000000e-01 : f32
    %ge3A_62 = vector.broadcast %ge3A : f32 to vector<1x2048xf32>
    %ge3A_63 = arith.cmpf oge, %mul3A_61, %ge3A_62 : vector<1x2048xf32>
    %convert_element_type3A = arith.extui %ge3A_63 : vector<1x2048xi1> to vector<1x2048xi32>
    %convert_element_type3A_64 = arith.sitofp %convert_element_type3A : vector<1x2048xi32> to vector<1x2048xf32>
    %swap3A = arith.constant 0 : index
    %swap3A_65 = arith.constant 0 : index
    %swap3A_66 = arith.constant 0 : index
    %swap3A_67 = vector.load %arg5[%swap3A, %swap3A_65, %swap3A_66] : memref<1x1x2048xf32, #tpu.memory_space<vmem>>, vector<1x1x2048xf32>
    %swap3A_68 = vector.shape_cast %swap3A_67 : vector<1x1x2048xf32> to vector<1x2048xf32>
    %swap3A_69 = vector.shape_cast %convert_element_type3A_64 : vector<1x2048xf32> to vector<1x1x2048xf32>
    tpu.vector_store %arg5[%swap3A, %swap3A_65, %swap3A_66], %swap3A_69 {strides = array<i32>} : memref<1x1x2048xf32, #tpu.memory_space<vmem>>, vector<1x1x2048xf32>,
    return
  }
  func.func @transform_0(%arg0: i32) -> i32 {
    %c0_i32 = arith.constant 0 : i32
    %c0_i32_0 = arith.constant 0 : i32
    return %c0_i32 : i32
  }
  func.func @transform_1(%arg0: i32) -> (i32, i32, i32) {
    %c0_i32 = arith.constant 0 : i32
    %c0_i32_0 = arith.constant 0 : i32
    %c0_i32_1 = arith.constant 0 : i32
    return %arg0, %c0_i32, %c0_i32_0 : i32, i32, i32
  }
  func.func @transform_2(%arg0: i32) -> (i32, i32, i32) {
    %c0_i32 = arith.constant 0 : i32
    %c0_i32_0 = arith.constant 0 : i32
    %c0_i32_1 = arith.constant 0 : i32
    return %arg0, %c0_i32, %c0_i32_0 : i32, i32, i32
  }
  func.func @transform_3(%arg0: i32) -> (i32, i32, i32) {
    %c0_i32 = arith.constant 0 : i32
    %c0_i32_0 = arith.constant 0 : i32
    %c0_i32_1 = arith.constant 0 : i32
    return %arg0, %c0_i32, %c0_i32_0 : i32, i32, i32
  }
  func.func @transform_4(%arg0: i32) -> (i32, i32, i32) {
    %c0_i32 = arith.constant 0 : i32
    %c0_i32_0 = arith.constant 0 : i32
    %c0_i32_1 = arith.constant 0 : i32
    return %arg0, %c0_i32, %c0_i32_0 : i32, i32, i32
  }
}

</mosaic_0001>

<sc_bundles>
// kernel: kernel.5.cloned.1.call-start
scs
__scs_entry_jumppad:
0x0: {  	(pc) =	sbr.rel $0x88, $3  }
0x1: {  	(tag) =	ssettag $0x0;
	lr =	simm.s32 $0x1  }
0x2: {  	[smem:$0x3F96] =	sst lr;
	_ =	strace $0xD0000000  }
0x3: {  	_ = 	snop  }
0x4: {  	_ = 	snop  }
0x5: {  	_ = 	snop  }
0x6: {  	_ = 	snop  }
0x7: {  	_ = 	snop  }
__scs_overlays_trampoline_lowered:
0x8: {  	[smem:$0x3FA5] =	sst s0  }
0x9: {  	[smem:$0x3FA6] =	sst s1  }
0xa: {  	[smem:$0x3FA7] =	sst s2  }
0xb: {  	[smem:$0x3FA8] =	sst s3  }
0xc: {  	[smem:$0x3FA9] =	sst s4  }
0xd: {  	[smem:$0x3FAA] =	sst s5  }
0xe: {  	[smem:$0x3FAB] =	sst s6  }
0xf: {  	[smem:$0x3FAC] =	sst s7  }
0x10: {  	[smem:$0x3FAD] =	sst s8  }
0x11: {  	[smem:$0x3FAE] =	sst s9;
	s0 =	simm.s32 @!p0 $0x0  }
0x12: {  	s1 =	sld [smem:$0x3F94];
	s0 =	simm.s32 @p0 $0x1  }
0x13: {  	[smem:$0x3FAF] =	sst s0;
	s0 =	simm.s32 @!p1 $0x0  }
0x14: {  	s2 =	sld [smem:$0x3F93];
	s0 =	simm.s32 @p1 $0x1  }
0x15: {  	[smem:$0x3FB0] =	sst s0;
	s0 =	simm.s32 @!p2 $0x0  }
0x16: {  	s3 =	sld [smem:$0x3FDB];
	s0 =	simm.s32 @p2 $0x1  }
0x17: {  	s4 =	simm.s32 $0x1BF5;
	[smem:$0x3FB2] =	sst s0  }
0x18: {  	s0 =	sld [smem:$0x3F95];
	_ =	swait.ge [sflag:s4], $0x0  }
0x19: {  	s7 =	sld [smem:$0x3F96]  }
0x1a: {  	s8 =	sadd.s32 $0xFFFFE003, lr  }
0x1b: {  	s9 =	sadd.s32 $0xFFFFFEF7, lr;
	s5 =	simm.s32 $0xFFFFFFFF;
	p2 =	slt.u32 s8, $0xFFFFF086  }
0x1c: {  	p1 =	slt.u32 s9, $0xF7A;
	s5 =	simm.s32 @!p2 $0x0  }
0x1d: {  	s5 =	simm.s32 @p1 $0x1;
	p0 =	seq.s32 s7, s2  }
0x1e: {  	s7 =	smul.u32 @!p0 $0xF7A, s2;
	p2 =	seq.s32 @!p0 s5, $0x0  }
0x1f: {  	s9 =	smul.u32 $0xF7A, s1;
	s8 =	simm.s32 @!p0 $0x1BF5;
	p2 =	por !p2, p0  }
0x20: {  	[sflag:s8] =	ssyncset.s32 @!p0 $0xFFFFF086;
	s6 =	sadd.s32 @!p0 s3, s7;
	s7 =	simm.s32 @!p0 $0x108  }
0x21: {  	s3 =	sadd.s32 s3, s9;
	s6 =	sadd.s32 @!p0 $0x88, s6;
	s7 =	simm.s32 @p2 $0x1082  }
0x22: {  	[simem:s7], [sflag:s8] =	dma.local @!p0 [hbm:s6], $0xF7A  }
0x23: {  	s9 =	sor.u32 $0xD0000000, s2;
	s6 =	simm.s32 $0x108;
	_ =	swait.ge @!p0 [sflag:s8], $0x0  }
0x24: {  	s3 =	sadd.s32 $0x88, s3;
	s6 =	simm.s32 @!p1 $0x1082;
	[sflag:s4] =	ssyncset.s32 $0xFFFFF086  }
0x25: {  	[simem:s6], [sflag:s4] =	dma.local [hbm:s3], $0xF7A  }
0x26: {  	[smem:$0x3F96] =	sst s1;
	(tag) =	ssettag s2;
	_ =	strace s9  }
0x27: {  	s1 =	sld [smem:$0x3FA6]  }
0x28: {  	s2 =	sld [smem:$0x3FA7]  }
0x29: {  	s4 =	sld [smem:$0x3FA9]  }
0x2a: {  	p0 =	seq.s32 s5, $0x0;
	s5 =	sld [smem:$0x3FAA]  }
0x2b: {  	s6 =	sld [smem:$0x3FAB]  }
0x2c: {  	s7 =	sld [smem:$0x3FAC]  }
0x2d: {  	s3 =	simm.s32 $0x108;
	s8 =	sld [smem:$0x3FAD]  }
0x2e: {  	s3 =	simm.s32 @!p0 $0x1082;
	s9 =	sld [smem:$0x3FAE]  }
0x2f: {  	lr =	sadd.s32 s0, s3;
	s0 =	sld [smem:$0x3FA5]  }
0x30: {  	s3 =	sld [smem:$0x3FA8]  }
0x31: {  	[smem:$0x3FB1] =	sst s10  }
0x32: {  	s10 =	sld [smem:$0x3FAF];
	_ =	sdelay $0x3  }
0x33: {  	p0 =	seq.s32 s10, $0x1;
	s10 =	sld [smem:$0x3FB1];
	_ =	sdelay $0x3  }
0x34: {  	[smem:$0x3FB1] =	sst s10  }
0x35: {  	s10 =	sld [smem:$0x3FB0];
	_ =	sdelay $0x3  }
0x36: {  	p1 =	seq.s32 s10, $0x1;
	s10 =	sld [smem:$0x3FB1];
	_ =	sdelay $0x3  }
0x37: {  	[smem:$0x3FB1] =	sst s10  }
0x38: {  	s10 =	sld [smem:$0x3FB2]  }
0x39: {  	_ = 	snop;
	(pc) =	sbr.ind lr, $3  }
0x3a: {  	_ = 	snop  }
0x3b: {  	_ = 	snop  }
0x3c: {  	p2 =	seq.s32 s10, $0x1;
	s10 =	sld [smem:$0x3FB1]  }
0x3d: {  	_ =	shalt  }
0x3e: {  	_ =	shalt  }
0x3f: {  	_ =	shalt  }
0x40: {  	_ =	shalt  }
0x41: {  	_ =	shalt  }
0x42: {  	_ =	shalt  }
0x43: {  	_ =	shalt  }
0x44: {  	_ =	shalt  }
0x45: {  	_ =	shalt  }
0x46: {  	_ =	shalt  }
0x47: {  	_ =	shalt  }
0x48: {  	_ =	shalt  }
0x49: {  	_ =	shalt  }
0x4a: {  	_ =	shalt  }
0x4b: {  	_ =	shalt  }
0x4c: {  	_ =	shalt  }
0x4d: {  	_ =	shalt  }
0x4e: {  	_ =	shalt  }
0x4f: {  	_ =	shalt  }
0x50: {  	_ =	shalt  }
0x51: {  	_ =	shalt  }
0x52: {  	_ =	shalt  }
0x53: {  	_ =	shalt  }
0x54: {  	_ =	shalt  }
0x55: {  	_ =	shalt  }
0x56: {  	_ =	shalt  }
0x57: {  	_ =	shalt  }
0x58: {  	_ =	shalt  }
0x59: {  	_ =	shalt  }
0x5a: {  	_ =	shalt  }
0x5b: {  	_ =	shalt  }
0x5c: {  	_ =	shalt  }
0x5d: {  	_ =	shalt  }
0x5e: {  	_ =	shalt  }
0x5f: {  	_ =	shalt  }
0x60: {  	_ =	shalt  }
0x61: {  	_ =	shalt  }
0x62: {  	_ =	shalt  }
0x63: {  	_ =	shalt  }
0x64: {  	_ =	shalt  }
0x65: {  	_ =	shalt  }
0x66: {  	_ =	shalt  }
0x67: {  	_ =	shalt  }
0x68: {  	_ =	shalt  }
0x69: {  	_ =	shalt  }
0x6a: {  	_ =	shalt  }
0x6b: {  	_ =	shalt  }
0x6c: {  	_ =	shalt  }
0x6d: {  	_ =	shalt  }
0x6e: {  	_ =	shalt  }
0x6f: {  	_ =	shalt  }
0x70: {  	_ =	shalt  }
0x71: {  	_ =	shalt  }
0x72: {  	_ =	shalt  }
0x73: {  	_ =	shalt  }
0x74: {  	_ =	shalt  }
0x75: {  	_ =	shalt  }
0x76: {  	_ =	shalt  }
0x77: {  	_ =	shalt  }
0x78: {  	_ =	shalt  }
0x79: {  	_ =	shalt  }
0x7a: {  	_ =	shalt  }
0x7b: {  	_ =	shalt  }
0x7c: {  	_ =	shalt  }
0x7d: {  	_ =	shalt  }
0x7e: {  	_ =	shalt  }
0x7f: {  	_ =	shalt  }
0x80: {  	_ =	shalt  }
0x81: {  	_ =	shalt  }
0x82: {  	_ =	shalt  }
0x83: {  	_ =	shalt  }
0x84: {  	_ =	shalt  }
0x85: {  	_ =	shalt  }
0x86: {  	_ =	shalt  }
0x87: {  	_ =	shalt  }
.Lfunc_end0:
.L_simem_size_0:
called_computation_lowered:
.L_overlay_start_0:
0x88: {  	s2 =	sld [smem:$0x3FD9]  }
0x89: {  	s3 =	sld [smem:$0x3FFE];
	_ =	sdelay $0x1  }
0x8a: {  	s1 =	srdreg.scid  }
0x8b: {  	s0 =	sand.u32 $0x1, s1  }
0x8c: {  	s15 =	sshll.u32 s0, $0xA;
	s2 =	sadd.s32 s3, s2  }
0x8d: {  	s2 =	sadd.s32 s2, s15  }
0x8e: {  	[smem:$0x3FBD] =	sst s2  }
0x8f: {  	_ = 	snop  }
0x90: {  	s2 =	sld [smem:$0x3FD0];
	_ =	sdelay $0x2  }
0x91: {  	s4 =	simm.s32 $0xA;
	s5 =	simm.s32 $0x10;
	s16 =	sld [smem:$0x3FC7]  }
0x92: {  	[smem:s5], [sflag:s4] =	dma.local [hbm:s2], $0x1  }
0x93: {  	_ =	swait.eq [sflag:s4], $0x1  }
0x94: {  	[sflag:s4] =	ssyncset.done $0x0  }
0x95: {  	[sflag:s4] =	ssyncadd.s32 $0xFFFFFFFF  }
0x96: {  	s17 =	sld [smem:$0x10];
	(tm) =	ssettm $0x1  }
0x97: {  	s18 =	sld [smem:$0x3FFB];
	_ =	sdelay $0x3  }
0x98: {  	_ =	strace s18  }
0x99: {  	s4 =	sld [smem:$0x3FFC];
	_ =	sdelay $0x3  }
0x9a: {  	_ =	strace s4  }
0x9b: {  	s4 =	sld [smem:$0x3FFD];
	_ =	sdelay $0x3  }
0x9c: {  	_ =	strace s4  }
0x9d: {  	_ =	strace $0x8FFFFFFF  }
0x9e: {  	s19 =	sld [smem:$0x3FDB];
	_ =	sdelay $0x1  }
0x9f: {  	s20 =	simm.s32 $_scs_section_size  }
0xa0: {  	s6 =	simm.s32 $_size__tile_overlayer_lowered;
	s7 =	simm.s32 $_tile_overlayer_lowered  }
0xa1: {  	s23 =	simm.s32 $0x1BFF;
	s22 =	sshll.u32 s7, $0x1;
	s4 =	sadd.s32 s20, s19  }
0xa2: {  	s8 =	simm.s32 $0x0;
	s21 =	sshll.u32 s6, $0x1;
	s6 =	sadd.s32 s22, s4  }
0xa3: {  	[timem:s8], [sflag:s23] =	dma.local [hbm:s6], s21  }
0xa4: {  	_ =	swait.ge [sflag:s23], s21  }
0xa5: {  	s5 =	ssub.s32 $0x0, s21;
	[sflag:s23] =	ssyncset.done $0x0  }
0xa6: {  	[sflag:s23] =	ssyncadd.s32 s5;
	_ =	sdelay $0x1  }
0xa7: {  	s24 =	simm.s32 $0x1B8B  }
0xa8: {  	_ =	swait.ge [sflag:s24], $0x1  }
0xa9: {  	[sflag:s24] =	ssyncset.done $0x0  }
0xaa: {  	s25 =	simm.s32 $0x1B8E;
	[sflag:s24] =	ssyncadd.s32 $0xFFFFFFFF  }
0xab: {  	s26 =	simm.s32 $execute0_lowered;
	[smem:$0x3FD2] =	sst s25  }
0xac: {  	s5 =	sshll.u32 s26, $0x1;
	_ =	strace $0x80000046;
	[dreg:$0x1] =	wrdreg $0xFFFFFFFF  }
0xad: {  	s28 =	simm.s32 $_size_execute0_lowered;
	s4 =	sadd.s32 s4, s5;
	[dreg:$0x0] =	wrdreg $0x0  }
0xae: {  	s5 =	sshll.u32 s28, $0x1;
	[dreg:$0x2] =	wrdreg s4  }
0xaf: {  	[dreg:$0x3] =	wrdreg s5  }
0xb0: {  	[dreg:$0x4] =	wrdreg $0xC0  }
0xb1: {  	_ =	task [dreg:s8], $0x5FFFF  }
0xb2: {  	[dreg:$0x1] =	wrdreg $0xFFFFFFFF  }
0xb3: {  	[dreg:$0x0] =	wrdreg $0x60  }
0xb4: {  	[dreg:$0x2] =	wrdreg s16  }
0xb5: {  	[dreg:$0x3] =	wrdreg s17  }
0xb6: {  	[dreg:$0x4] =	wrdreg $0x9  }
0xb7: {  	_ =	task.clear_ibuf [dreg:s8], $0x5FFFF;
	_ =	strace $0x90000046  }
0xb8: {  	s29 =	simm.s32 $0x9;
	_ =	strace $0x80000048  }
0xb9: {  	_ =	swait.ge [sflag:s29], $0x1  }
0xba: {  	[sflag:s29] =	ssyncadd.s32 $0xFFFFFFFF  }
0xbb: {  	_ =	strace $0x90000048  }
0xbc: {  	_ =	sfence  }
0xbd: {  	s30 =	sld [smem:$0x0];
	_ =	sdelay $0x2  }
0xbe: {  	s31 =	sshll.u32 s1, $0xD;
	s1 =	sshrl.u32 s1, $0x2  }
0xbf: {  	s3 =	sand.u32 $0x4000, s31;
	s1 =	sadd.s32 s1, s30  }
0xc0: {  	s0 =	sor.u32 s3, s0;
	s1 =	sshll.u32 s1, $0x11  }
0xc1: {  	s0 =	sor.u32 s1, s0  }
0xc2: {  	s0 =	sadd.s32 $0x8F2B, s0  }
0xc3: {  	[sflag:s0] =	ssyncadd.remote.s32 $0x1  }
0xc4: {  	_ =	sfence.sel $0xFFFF  }
0xc5: {  	[dreg:$0x0] =	wrdreg $0xFFFFFFFF;
	(pc) =	sbr.abs _section_cstart, $3  }
0xc6: {  	[dreg:$0x1] =	wrdreg $0xFFFFFFFF  }
0xc7: {  	_ =	task.clear_ibuf [dreg:s8], $0x2FFFF;
	_ =	strace $0x9FFFFFFF  }
0xc8: {  	(tm) =	ssettm $0x7FFFFFFF  }
0xc9: {  	_ =	shalt  }
tec
execute0_lowered:
.L_overlay_start_1:
0x0: {  	(tag) =	ssettag $0x1  }
0x1: {  	s1 =	rddreg [dreg:$0x0]  }
0x2: {  	s4 =	rddreg [dreg:$0x1];
	s2 =	srdreg.scid  }
0x3: {  	s0 =	rddreg [dreg:$0x2];
	s3 =	simm.s32 $0x0;
	s11 =	simm.s32 $0x2  }
0x4: {  	s12 =	simm.s32 $0x80;
	s13 =	simm.s32 $0x400;
	s14 =	simm.s32 $0x10000  }
0x5: {  	s15 =	simm.s32 $0x3;
	s5 =	sand.u32 $0x1, s2;
	s2 =	stileid.u32  }
0x6: {  	[smem:$0x7FF] =	sst s3;
	s6 =	smul.u32 $0x3000000, s5;
	s7 =	ssub.s32 $0x2, s5  }
0x7: {  	s8 =	smul.u32 $0x90000, s2;
	_ =	strace $0x80000047;
	s5 =	sshll.u32 s5, $0xC  }
0x8: {  	s29 =	sshll.u32 s2, $0x8;
	s10 =	sshll.u32 s2, $0x4;
	s9 =	sshrl.u32 s7, $0x1  }
0x9: {  	s4 =	sadd.s32 s4, s5;
	s31 =	sand.u32 $0x70, s10;
	s10 =	simm.s32 $0x1  }
0xa: {  	s7 =	ssub.s32 s7, s9;
	s8 =	sor.u32 s6, s8;
	s9 =	sand.u32 $0x800, s29  }
0xb: {  	s6 =	sshrl.u32 s8, $0x3;
	s9 =	sadd.s32 s9, s4;
	s5 =	sadd.s32 $0x2710000, s8  }
0xc: {  	s7 =	smax.u32 s7, $0x1;
	s8 =	sadd.s32 $0x2708000, s8;
	s30 =	sadd.s32 s1, s6  }
0xd: {  	v0 =	vimm.f32 $0.0e+00;
	s6 =	sadd.s32 s31, s9;
	s9 =	simm.s32 $0x8000;
	s4 =	sadd.s32 $0x4E0000, s30  }
.LBB2_1:
0xe: {  	s16 =	simm.s32 $0x40;
	s17 =	simm.s32 $0x0  }
.LBB2_2:
0xf: {  	p0 =	sne.s32 s16, $0x1FC0;
	[tilespmem:s17+$0x10000] =	vst v0;
	s17 =	smov.u32 s16;
	s16 =	sadd.s32 $0x40, s16  }
.Ltmp0:
0x10: {  	(pc) =	sbr.rel @p0 .LBB2_2-.Ltmp0, $2  }
0x11: {  	_ =	sdelay $0x2  }
0x12: {  	s17 =	sshra.s32 s17, $0x2  }
0x13: {  	[tilespmem:s17+$0x10000] =	vst v0;
	s16 =	simm.s32 $0x0;
	s17 =	simm.s32 $0x0  }
0x14: {  	[tilespmem:s16], [sflag:$0x1] =	stream.linear.gather [hbm4b:s4+s16], $0x8000, $0x38;
	[tilespmem:$0x10800] =	vst v63  }
.LBB2_4:
0x15: {  	s18 =	sshll.u32 s17, $0x10  }
0x16: {  	s19 =	sadd.s32 s8, s18  }
0x17: {  	s19 =	sshrl.u32 s19, $0x3  }
0x18: {  	s19 =	sadd.s32 s1, s19  }
0x19: {  	[tilespmem:s9], [sflag:$0x2] =	stream.linear.gather [hbm4b:s19+s16], $0x8000, $0x38;
	[tilespmem:$0x10800] =	vst v63  }
0x1a: {  	s31 =	simm.s32 $0x0;
	_ =	swait.ge [sflag:s10], $0x8000  }
0x1b: {  	s20 =	sand.u32 $0x3C00, s16;
	s19 =	sand.u32 $0x60, s31;
	[sflag:s10] =	ssyncset.done $0x0  }
0x1c: {  	s22 =	sor.u32 s19, s20;
	[sflag:s10] =	ssyncadd.s32 $0xFFFF8000  }
0x1d: {  	v1 =	vld [tilespmem:s22+$0x4200]  }
0x1e: {  	s23 =	simm.s32 $0x10;
	s24 =	simm.s32 $0x0;
	s25 =	simm.s32 $0x10030;
	v2 =	vld [tilespmem:s22+$0x4080]  }
0x1f: {  	s26 =	simm.s32 $0x0;
	s21 =	simm.s32 $0x10;
	s19 =	simm.s32 $0x10010;
	v3 =	vld [tilespmem:s22+$0x200]  }
.LBB2_5:
0x20: {  	s24 =	sadd.s32 $0x2, s24;
	v4 =	vld [tilespmem:s22+$0x280];
	s26 =	sadd.s32 $0x100, s26;
	s23 =	sadd.s32 $0x20, s23  }
0x21: {  	p0 =	slt.u32 s24, $0x7E;
	v5 =	vld [tilespmem:s22+$0x0]  }
0x22: {  	v6 =	vld [tilespmem:s22+$0x80]  }
0x23: {  	v7 =	vld [tilespmem:s22+$0x100]  }
0x24: {  	v8 =	vld [tilespmem:s22+$0x300]  }
0x25: {  	v9 =	vld [tilespmem:s22+$0x180]  }
0x26: {  	v10 =	vld [tilespmem:s22+$0x380]  }
0x27: {  	v11 =	vld [tilespmem:s22+$0x4100]  }
0x28: {  	v6 =	vadd.f32 $0.0e+00, v6;
	v12 =	vld [tilespmem:s22+$0x4000]  }
0x29: {  	v5 =	vadd.f32 $0.0e+00, v5;
	v7 =	vadd.f32 $0.0e+00, v7;
	v13 =	vld [tilespmem:s22+$0x4280]  }
0x2a: {  	v4 =	vadd.f32 v4, v6;
	v9 =	vadd.f32 $0.0e+00, v9;
	v6 =	vld [tilespmem:s22+$0x4180]  }
0x2b: {  	v3 =	vadd.f32 v3, v5;
	v5 =	vadd.f32 v8, v7;
	v7 =	vld [tilespmem:s22+$0x4300]  }
0x2c: {  	v2 =	vadd.f32 v2, v4;
	v4 =	vld [tilespmem:s22+$0x4380]  }
0x2d: {  	v8 =	vadd.f32 v10, v9;
	v3 =	vadd.f32 v12, v3  }
0x2e: {  	v5 =	vadd.f32 v11, v5;
	v2 =	vadd.f32 v13, v2  }
0x2f: {  	v6 =	vadd.f32 v6, v8;
	v1 =	vadd.f32 v1, v3  }
0x30: {  	s22 =	sadd.s32 $0xFFFFFFF0, s23;
	v3 =	vadd.f32 v7, v5  }
0x31: {  	s28 =	sand.u32 $0x3C00, s26;
	s22 =	sand.u32 $0x60, s22;
	v4 =	vadd.f32 v4, v6;
	v1 =	vadd.f32 v2, v1  }
0x32: {  	s22 =	sor.u32 s22, s28  }
0x33: {  	v2 =	vadd.f32 v4, v3;
	_ =	sdelay $0x1  }
0x34: {  	v1 =	vadd.f32 v2, v1  }
0x35: {  	s29 =	sand.u32 $0x70, s21;
	s21 =	smov.u32 s23  }
0x36: {  	s29 =	sor.u32 s29, s20;
	s20 =	smov.u32 s28;
	[tilespmem:s19+$0xFFFFFFF0] =	vst.add.f32.msk $0xffff, v1  }
0x37: {  	v1 =	vld [tilespmem:s29+$0x4280]  }
0x38: {  	v2 =	vld [tilespmem:s29+$0x80]  }
0x39: {  	v3 =	vld [tilespmem:s29+$0x200]  }
0x3a: {  	v4 =	vld [tilespmem:s29+$0x280]  }
0x3b: {  	v5 =	vld [tilespmem:s29+$0x4000]  }
0x3c: {  	v6 =	vld [tilespmem:s29+$0x4080]  }
0x3d: {  	v2 =	vadd.f32 $0.0e+00, v2;
	v7 =	vld [tilespmem:s29+$0x300]  }
0x3e: {  	v8 =	vld [tilespmem:s29+$0x100]  }
0x3f: {  	v9 =	vld [tilespmem:s29+$0x180];
	v2 =	vadd.f32 v4, v2  }
0x40: {  	v4 =	vld [tilespmem:s29+$0x0]  }
0x41: {  	v10 =	vld [tilespmem:s29+$0x380];
	v2 =	vadd.f32 v6, v2  }
0x42: {  	v6 =	vld [tilespmem:s29+$0x4100]  }
0x43: {  	v8 =	vadd.f32 $0.0e+00, v8;
	v11 =	vld [tilespmem:s29+$0x4180];
	v1 =	vadd.f32 v1, v2  }
0x44: {  	v2 =	vadd.f32 $0.0e+00, v9;
	v9 =	vld [tilespmem:s29+$0x4300]  }
0x45: {  	v4 =	vadd.f32 $0.0e+00, v4;
	v7 =	vadd.f32 v7, v8;
	v8 =	vld [tilespmem:s29+$0x4380]  }
0x46: {  	v2 =	vadd.f32 v10, v2;
	v10 =	vld [tilespmem:s29+$0x4200]  }
0x47: {  	v3 =	vadd.f32 v3, v4;
	v4 =	vadd.f32 v6, v7  }
0x48: {  	v2 =	vadd.f32 v11, v2  }
0x49: {  	v3 =	vadd.f32 v5, v3  }
0x4a: {  	v2 =	vadd.f32 v8, v2  }
0x4b: {  	v4 =	vadd.f32 v9, v4;
	v3 =	vadd.f32 v10, v3;
	_ =	sdelay $0x1  }
0x4c: {  	v2 =	vadd.f32 v2, v4;
	v1 =	vadd.f32 v1, v3;
	_ =	sdelay $0x1  }
0x4d: {  	v1 =	vadd.f32 v2, v1  }
.Ltmp1:
0x4e: {  	(pc) =	sbr.rel @p0 .LBB2_5-.Ltmp1, $4  }
0x4f: {  	[tilespmem:s19+$0x0] =	vst.add.f32.msk $0xffff, v1;
	s19 =	smov.u32 s25  }
0x50: {  	v1 =	vld [tilespmem:s22+$0x4200]  }
0x51: {  	v2 =	vld [tilespmem:s22+$0x4080]  }
0x52: {  	s25 =	sadd.s32 $0x20, s25;
	v3 =	vld [tilespmem:s22+$0x200]  }
0x53: {  	v4 =	vld [tilespmem:s22+$0x280]  }
0x54: {  	v5 =	vld [tilespmem:s22+$0x0]  }
0x55: {  	v6 =	vld [tilespmem:s22+$0x80]  }
0x56: {  	v7 =	vld [tilespmem:s22+$0x100]  }
0x57: {  	v8 =	vld [tilespmem:s22+$0x300]  }
0x58: {  	v9 =	vld [tilespmem:s22+$0x180]  }
0x59: {  	v10 =	vld [tilespmem:s22+$0x380]  }
0x5a: {  	v11 =	vld [tilespmem:s22+$0x4100]  }
0x5b: {  	v12 =	vld [tilespmem:s22+$0x4000]  }
0x5c: {  	v13 =	vld [tilespmem:s22+$0x4280]  }
0x5d: {  	v14 =	vld [tilespmem:s22+$0x4180];
	v6 =	vadd.f32 $0.0e+00, v6;
	v5 =	vadd.f32 $0.0e+00, v5  }
0x5e: {  	v15 =	vld [tilespmem:s22+$0x4300];
	v7 =	vadd.f32 $0.0e+00, v7;
	v9 =	vadd.f32 $0.0e+00, v9  }
0x5f: {  	v4 =	vadd.f32 v4, v6;
	v3 =	vadd.f32 v3, v5;
	v5 =	vld [tilespmem:s22+$0x4380]  }
0x60: {  	v6 =	vadd.f32 v8, v7;
	v7 =	vadd.f32 v10, v9  }
0x61: {  	v2 =	vadd.f32 v2, v4;
	v3 =	vadd.f32 v12, v3  }
0x62: {  	v4 =	vadd.f32 v11, v6;
	v6 =	vadd.f32 v14, v7  }
0x63: {  	v2 =	vadd.f32 v13, v2;
	v1 =	vadd.f32 v1, v3  }
0x64: {  	v3 =	vadd.f32 v15, v4;
	v4 =	vadd.f32 v5, v6;
	_ =	sdelay $0x1  }
0x65: {  	v1 =	vadd.f32 v2, v1;
	v2 =	vadd.f32 v4, v3;
	_ =	sdelay $0x1  }
0x66: {  	v1 =	vadd.f32 v2, v1  }
0x67: {  	s21 =	sand.u32 $0x70, s21  }
0x68: {  	s20 =	sor.u32 s21, s20;
	[tilespmem:s19+$0xFFFFFFF0] =	vst.add.f32.msk $0xffff, v1  }
0x69: {  	v1 =	vld [tilespmem:s20+$0x4280]  }
0x6a: {  	v2 =	vld [tilespmem:s20+$0x80]  }
0x6b: {  	v3 =	vld [tilespmem:s20+$0x200]  }
0x6c: {  	v4 =	vld [tilespmem:s20+$0x280]  }
0x6d: {  	v5 =	vld [tilespmem:s20+$0x4000]  }
0x6e: {  	v6 =	vld [tilespmem:s20+$0x4080]  }
0x6f: {  	v7 =	vld [tilespmem:s20+$0x300]  }
0x70: {  	v8 =	vld [tilespmem:s20+$0x100]  }
0x71: {  	v49 =	vld [tilespmem:s20+$0x180]  }
0x72: {  	v50 =	vld [tilespmem:s20+$0x0]  }
0x73: {  	v51 =	vld [tilespmem:s20+$0x380]  }
0x74: {  	v52 =	vld [tilespmem:s20+$0x4100]  }
0x75: {  	v53 =	vld [tilespmem:s20+$0x4180]  }
0x76: {  	v54 =	vld [tilespmem:s20+$0x4300];
	v2 =	vadd.f32 $0.0e+00, v2;
	v9 =	vadd.f32 $0.0e+00, v49  }
0x77: {  	v55 =	vld [tilespmem:s20+$0x4380];
	v8 =	vadd.f32 $0.0e+00, v8;
	v10 =	vadd.f32 $0.0e+00, v50  }
0x78: {  	v56 =	vld [tilespmem:s20+$0x4200];
	v2 =	vadd.f32 v4, v2;
	v4 =	vadd.f32 v51, v9  }
0x79: {  	v7 =	vadd.f32 v7, v8;
	v3 =	vadd.f32 v3, v10  }
0x7a: {  	v2 =	vadd.f32 v6, v2;
	v4 =	vadd.f32 v53, v4  }
0x7b: {  	v6 =	vadd.f32 v52, v7;
	v3 =	vadd.f32 v5, v3  }
0x7c: {  	v1 =	vadd.f32 v1, v2;
	v2 =	vadd.f32 v55, v4  }
0x7d: {  	v3 =	vadd.f32 v56, v3;
	v4 =	vadd.f32 v54, v6;
	_ =	sdelay $0x1  }
0x7e: {  	v1 =	vadd.f32 v1, v3;
	v2 =	vadd.f32 v2, v4  }
0x7f: {  	p0 =	seq.s32 s17, $0x8  }
0x80: {  	s18 =	sadd.s32 @!p0 s18, s5;
	v1 =	vadd.f32 v2, v1  }
0x81: {  	s18 =	sshrl.u32 @!p0 s18, $0x3  }
0x82: {  	s18 =	sadd.s32 @!p0 s1, s18;
	[tilespmem:s19+$0x0] =	vst.add.f32.msk $0xffff, v1;
	s19 =	simm.s32 @!p0 $0x0  }
0x83: {  	[tilespmem:s19], [sflag:$0x1] =	stream.linear.gather @!p0 [hbm4b:s18+s19], $0x8000, $0x38;
	[tilespmem:$0x10800] =	vst v63  }
0x84: {  	s18 =	simm.s32 $0x0  }
0x85: {  	s28 =	simm.s32 $0x0;
	_ =	swait.ge [sflag:s11], $0x8000;
	s29 =	sand.u32 $0x3C00, s18  }
0x86: {  	s19 =	sand.u32 $0x60, s28;
	[sflag:s11] =	ssyncset.done $0x0;
	s30 =	sor.u32 $0x8000, s29  }
0x87: {  	[sflag:s11] =	ssyncadd.s32 $0xFFFF8000;
	s19 =	sor.u32 s19, s30  }
0x88: {  	v1 =	vld [tilespmem:s19+$0x100]  }
0x89: {  	v2 =	vld [tilespmem:s19+$0x0]  }
0x8a: {  	v3 =	vld [tilespmem:s19+$0x280]  }
0x8b: {  	v4 =	vld [tilespmem:s19+$0x4100]  }
0x8c: {  	v5 =	vld [tilespmem:s19+$0x200]  }
0x8d: {  	v6 =	vld [tilespmem:s19+$0x4180]  }
0x8e: {  	v7 =	vld [tilespmem:s19+$0x300]  }
0x8f: {  	v8 =	vld [tilespmem:s19+$0x380]  }
0x90: {  	v57 =	vld [tilespmem:s19+$0x180]  }
0x91: {  	v58 =	vld [tilespmem:s19+$0x80]  }
0x92: {  	v59 =	vld [tilespmem:s19+$0x4080]  }
0x93: {  	v60 =	vld [tilespmem:s19+$0x4380]  }
0x94: {  	v61 =	vld [tilespmem:s19+$0x4000]  }
0x95: {  	v62 =	vld [tilespmem:s19+$0x4300];
	v2 =	vadd.f32 $0.0e+00, v2;
	v1 =	vadd.f32 $0.0e+00, v1  }
0x96: {  	v63 =	vld [tilespmem:s19+$0x4200];
	v9 =	vadd.f32 $0.0e+00, v57;
	v10 =	vadd.f32 $0.0e+00, v58  }
0x97: {  	v2 =	vadd.f32 v5, v2;
	v1 =	vadd.f32 v7, v1;
	v5 =	vld [tilespmem:s19+$0x4280]  }
0x98: {  	v7 =	vadd.f32 v8, v9;
	v3 =	vadd.f32 v3, v10  }
0x99: {  	v2 =	vadd.f32 v61, v2;
	v1 =	vadd.f32 v4, v1  }
0x9a: {  	v4 =	vadd.f32 v6, v7;
	v3 =	vadd.f32 v59, v3  }
0x9b: {  	v2 =	vadd.f32 v63, v2;
	v1 =	vadd.f32 v62, v1  }
0x9c: {  	v4 =	vadd.f32 v60, v4;
	v3 =	vadd.f32 v5, v3;
	_ =	sdelay $0x1  }
0x9d: {  	v1 =	vadd.f32 v4, v1;
	v2 =	vadd.f32 v3, v2;
	_ =	sdelay $0x1  }
0x9e: {  	s20 =	simm.s32 $0x10;
	v1 =	vadd.f32 v1, v2  }
0x9f: {  	s31 =	sand.u32 $0x70, s20;
	s19 =	simm.s32 $0x10010  }
0xa0: {  	s23 =	sor.u32 s31, s30;
	[tilespmem:s19+$0xFFFFFFF0] =	vst.add.f32.msk $0xffff, v1  }
0xa1: {  	v2 =	vld [tilespmem:s23+$0x0]  }
0xa2: {  	v1 =	vld [tilespmem:s23+$0x80]  }
0xa3: {  	v6 =	vld [tilespmem:s23+$0x100]  }
0xa4: {  	v5 =	vld [tilespmem:s23+$0x180]  }
0xa5: {  	v3 =	vld [tilespmem:s23+$0x300]  }
0xa6: {  	s21 =	simm.s32 $0x0;
	s22 =	simm.s32 $0x10030;
	v4 =	vld [tilespmem:s23+$0x380];
	v2 =	vadd.f32 $0.0e+00, v2  }
.LBB2_7:
0xa7: {  	s21 =	sadd.s32 $0x2, s21;
	v7 =	vld [tilespmem:s23+$0x4100];
	s18 =	sadd.s32 $0x100, s18;
	s20 =	sadd.s32 $0x20, s20  }
0xa8: {  	p0 =	slt.u32 s21, $0x7E;
	v6 =	vadd.f32 $0.0e+00, v6;
	v8 =	vld [tilespmem:s23+$0x4180]  }
0xa9: {  	v5 =	vadd.f32 $0.0e+00, v5;
	v9 =	vld [tilespmem:s23+$0x4300]  }
0xaa: {  	v3 =	vadd.f32 v3, v6;
	v6 =	vld [tilespmem:s23+$0x4380]  }
0xab: {  	v10 =	vld [tilespmem:s23+$0x280];
	v4 =	vadd.f32 v4, v5  }
0xac: {  	v5 =	vld [tilespmem:s23+$0x200];
	v3 =	vadd.f32 v7, v3  }
0xad: {  	v7 =	vld [tilespmem:s23+$0x4080];
	v4 =	vadd.f32 v8, v4  }
0xae: {  	v8 =	vld [tilespmem:s23+$0x4000];
	v3 =	vadd.f32 v9, v3  }
0xaf: {  	v1 =	vadd.f32 $0.0e+00, v1;
	v9 =	vld [tilespmem:s23+$0x4280];
	v4 =	vadd.f32 v6, v4  }
0xb0: {  	v6 =	vld [tilespmem:s23+$0x4200]  }
0xb1: {  	v1 =	vadd.f32 v10, v1;
	v2 =	vadd.f32 v5, v2  }
0xb2: {  	v3 =	vadd.f32 v4, v3  }
0xb3: {  	v1 =	vadd.f32 v7, v1;
	v2 =	vadd.f32 v8, v2;
	_ =	sdelay $0x1  }
0xb4: {  	v1 =	vadd.f32 v9, v1;
	v2 =	vadd.f32 v6, v2;
	_ =	sdelay $0x1  }
0xb5: {  	v1 =	vadd.f32 v1, v2  }
0xb6: {  	s24 =	sand.u32 $0x3C00, s18;
	s23 =	sadd.s32 $0xFFFFFFF0, s20  }
0xb7: {  	s25 =	sand.u32 $0x60, s23;
	s23 =	sor.u32 $0x8000, s24;
	v1 =	vadd.f32 v3, v1  }
0xb8: {  	s24 =	sor.u32 s25, s23  }
0xb9: {  	[tilespmem:s19+$0x0] =	vst.add.f32.msk $0xffff, v1;
	s19 =	smov.u32 s22  }
0xba: {  	v1 =	vld [tilespmem:s24+$0x100]  }
0xbb: {  	v2 =	vld [tilespmem:s24+$0x0]  }
0xbc: {  	v3 =	vld [tilespmem:s24+$0x280]  }
0xbd: {  	v4 =	vld [tilespmem:s24+$0x4100]  }
0xbe: {  	v5 =	vld [tilespmem:s24+$0x200]  }
0xbf: {  	v6 =	vld [tilespmem:s24+$0x4180]  }
0xc0: {  	v7 =	vld [tilespmem:s24+$0x300]  }
0xc1: {  	v8 =	vld [tilespmem:s24+$0x380]  }
0xc2: {  	v9 =	vld [tilespmem:s24+$0x180]  }
0xc3: {  	v10 =	vld [tilespmem:s24+$0x80]  }
0xc4: {  	v11 =	vld [tilespmem:s24+$0x4080]  }
0xc5: {  	v12 =	vld [tilespmem:s24+$0x4380]  }
0xc6: {  	v13 =	vld [tilespmem:s24+$0x4000]  }
0xc7: {  	v1 =	vadd.f32 $0.0e+00, v1;
	v2 =	vadd.f32 $0.0e+00, v2;
	v14 =	vld [tilespmem:s24+$0x4300]  }
0xc8: {  	v9 =	vadd.f32 $0.0e+00, v9;
	v15 =	vld [tilespmem:s24+$0x4200]  }
0xc9: {  	v2 =	vadd.f32 v5, v2;
	v10 =	vadd.f32 $0.0e+00, v10  }
0xca: {  	v1 =	vadd.f32 v7, v1;
	v5 =	vadd.f32 v8, v9;
	v7 =	vld [tilespmem:s24+$0x4280]  }
0xcb: {  	v3 =	vadd.f32 v3, v10;
	v2 =	vadd.f32 v13, v2  }
0xcc: {  	v1 =	vadd.f32 v4, v1;
	v4 =	vadd.f32 v6, v5  }
0xcd: {  	v3 =	vadd.f32 v11, v3;
	v2 =	vadd.f32 v15, v2  }
0xce: {  	v1 =	vadd.f32 v14, v1;
	v4 =	vadd.f32 v12, v4  }
0xcf: {  	v3 =	vadd.f32 v7, v3;
	_ =	sdelay $0x1  }
0xd0: {  	v1 =	vadd.f32 v4, v1;
	v2 =	vadd.f32 v3, v2;
	_ =	sdelay $0x1  }
0xd1: {  	v1 =	vadd.f32 v1, v2  }
0xd2: {  	s24 =	sand.u32 $0x70, s20  }
0xd3: {  	s23 =	sor.u32 s24, s23;
	[tilespmem:s22+$0xFFFFFFF0] =	vst.add.f32.msk $0xffff, v1  }
0xd4: {  	v2 =	vld [tilespmem:s23+$0x0]  }
.Ltmp2:
0xd5: {  	v1 =	vld [tilespmem:s23+$0x80];
	(pc) =	sbr.rel @p0 .LBB2_7-.Ltmp2, $4  }
0xd6: {  	v6 =	vld [tilespmem:s23+$0x100]  }
0xd7: {  	v5 =	vld [tilespmem:s23+$0x180]  }
0xd8: {  	v3 =	vld [tilespmem:s23+$0x300]  }
0xd9: {  	s22 =	sadd.s32 $0x20, s22;
	v2 =	vadd.f32 $0.0e+00, v2;
	v4 =	vld [tilespmem:s23+$0x380]  }
0xda: {  	v7 =	vld [tilespmem:s23+$0x4100]  }
0xdb: {  	v8 =	vld [tilespmem:s23+$0x4180]  }
0xdc: {  	v9 =	vld [tilespmem:s23+$0x4300]  }
0xdd: {  	v10 =	vld [tilespmem:s23+$0x4380]  }
0xde: {  	v11 =	vld [tilespmem:s23+$0x280]  }
0xdf: {  	v12 =	vld [tilespmem:s23+$0x200]  }
0xe0: {  	v13 =	vld [tilespmem:s23+$0x4080]  }
0xe1: {  	v14 =	vld [tilespmem:s23+$0x4000];
	v6 =	vadd.f32 $0.0e+00, v6;
	v5 =	vadd.f32 $0.0e+00, v5  }
0xe2: {  	v1 =	vadd.f32 $0.0e+00, v1;
	v15 =	vld [tilespmem:s23+$0x4280]  }
0xe3: {  	v63 =	vld [tilespmem:s23+$0x4200];
	v3 =	vadd.f32 v3, v6;
	v4 =	vadd.f32 v4, v5  }
0xe4: {  	v2 =	vadd.f32 v12, v2;
	v1 =	vadd.f32 v11, v1  }
0xe5: {  	v3 =	vadd.f32 v7, v3;
	v4 =	vadd.f32 v8, v4  }
0xe6: {  	v2 =	vadd.f32 v14, v2;
	v1 =	vadd.f32 v13, v1  }
0xe7: {  	v3 =	vadd.f32 v9, v3;
	v4 =	vadd.f32 v10, v4  }
0xe8: {  	s17 =	sadd.s32 $0x1, s17;
	v2 =	vadd.f32 v63, v2;
	v1 =	vadd.f32 v15, v1  }
0xe9: {  	p0 =	sne.s32 s17, $0x9  }
.Ltmp3:
0xea: {  	v3 =	vadd.f32 v4, v3;
	v1 =	vadd.f32 v1, v2;
	(pc) =	sbr.rel @p0 .LBB2_4-.Ltmp3, $3  }
0xeb: {  	_ = 	snop  }
0xec: {  	v1 =	vadd.f32 v3, v1;
	_ =	sdelay $0x1  }
0xed: {  	[tilespmem:s19+$0x0] =	vst.add.f32.msk $0xffff, v1  }
0xee: {  	s3 =	sadd.s32 $0x1, s3  }
0xef: {  	p0 =	sne.s32 s3, s7  }
.Ltmp4:
0xf0: {  	_ = 	snop;
	(pc) =	sbr.rel @p0 .LBB2_1-.Ltmp4, $4  }
0xf1: {  	[hbm4b:s6+s12] =	stream.strided.scatter [tilespmem:s14], [sflag:$0x3], $0x800, s13, s12, $0x38;
	[tilespmem:$0x10800] =	vst v63  }
0xf2: {  	_ =	swait.ge [sflag:s15], $0x800  }
0xf3: {  	[sflag:s15] =	ssyncset.done $0x0  }
0xf4: {  	[sflag:s15] =	ssyncadd.s32 $0xFFFFF800  }
0xf5: {  	_ =	sfence.sel $0x180000  }
0xf6: {  	[bflag:$0x0] =	sbarrier.arrive $0xFFFF  }
0xf7: {  	p0 =	sne.s32 s2, $0x0;
	_ =	strace $0x90000047  }
0xf8: {  	s0 =	sadd.s32 @!p0 $0x100000, s0;
	[bflag:$0x2] =	sbarrier.arrive $0xFFFF  }
0xf9: {  	[sflag:s0] =	ssyncadd.tile.s32 @!p0 $0x1;
	_ =	shalt  }
.Lfunc_end2:
_tile_overlayer_lowered:
.L_overlay_start_2:
0xfa: {  	(tag) =	ssettag $0x2  }
0xfb: {  	s0 =	rddreg [dreg:$0x0];
	s2 =	stileid.u32  }
0xfc: {  	s1 =	rddreg [dreg:$0x1];
	p0 =	sne.s32 s2, $0x0  }
0xfd: {  	s3 =	rddreg [dreg:$0x2];
	[bflag:$0x3] =	sbarrier.arrive $0xFFFF;
	s2 =	simm.s32 @!p0 $0x1C03  }
0xfe: {  	[timem:s3], [sflag:s2] =	dma.local @!p0 [hbm:s0], s1  }
0xff: {  	s0 =	simm.s32 @!p0 $0x3  }
0x100: {  	_ =	swait.ge @!p0 [sflag:s0], s1  }
0x101: {  	s1 =	ssub.s32 @!p0 $0x0, s1;
	[sflag:s0] =	ssyncset.done @!p0 $0x0  }
0x102: {  	[sflag:s0] =	ssyncadd.s32 @!p0 s1  }
0x103: {  	[bflag:$0x3] =	sbarrier.arrive $0xFFFF  }
0x104: {  	_ =	shalt  }

</sc_bundles>
